<compile_context>
chip_gen: v7x
topology: tpu7x:2x2x1
jax: 0.10.2.dev20260603
libtpu: 0.0.44.dev20260713+nightly
codegen_flags: <defaults>
</compile_context>

<pallas_src>
import jax
import jax.numpy as jnp
from jax import lax
from jax.experimental import pallas as pl
from jax.experimental.pallas import tpu as pltpu
from jax.experimental.pallas import tpu_sc as plsc

N_NODES = 10000
E_EDGES = 320000
FDIM = 128

NC = 2
NS = 16
NW = NC * NS
EPW = E_EDGES // NW
CHUNK = 80
NCHUNK = EPW // CHUNK
RPT = 632
N_PAD = RPT * NS

ROW_BLK = 5000
N_ROW_BLKS = N_NODES // ROW_BLK

_SC_MESH = plsc.VectorSubcoreMesh(core_axis_name="c", subcore_axis_name="s")


def _agg_deg_body(h_hbm, src_hbm, dst_hbm, zeros_hbm, out_hbm, deg_hbm,
                  src_v, dst_v, rows0, rows1, ones_v, tmp_v, sem0, sem1,
                  acc, deg_sp):
    c = lax.axis_index("c")
    s = lax.axis_index("s")
    wid = s * NC + c

    pltpu.sync_copy(src_hbm.at[pl.ds(wid * EPW, EPW)], src_v)
    pltpu.sync_copy(dst_hbm.at[wid], dst_v)
    pltpu.async_copy(h_hbm.at[src_v.at[pl.ds(0, CHUNK)]], rows0, sem0)
    pltpu.async_copy(h_hbm.at[src_v.at[pl.ds(CHUNK, CHUNK)]], rows1, sem1)

    def fill_ones(i, carry):
        ones_v[pl.ds(i * 16, 16)] = jnp.ones((16,), jnp.float32)
        return carry

    lax.fori_loop(0, CHUNK // 16, fill_ones, 0)

    def fill_zero(i, carry):
        tmp_v[pl.ds(i * 16, 16)] = jnp.zeros((16,), jnp.float32)
        return carry

    lax.fori_loop(0, 640 // 16, fill_zero, 0)
    pltpu.sync_copy(zeros_hbm.at[pl.ds(s * RPT, RPT)],
                    acc.at[pl.ds(s * RPT, RPT)])
    pltpu.sync_copy(tmp_v.at[pl.ds(0, RPT)], deg_sp.at[pl.ds(s * RPT, RPT)])
    plsc.subcore_barrier()

    def body(i, carry):
        g0 = 2 * i
        g1 = g0 + 1
        pltpu.make_async_copy(h_hbm.at[src_v.at[pl.ds(g0 * CHUNK, CHUNK)]], rows0, sem0).wait()
        pltpu.sync_copy(rows0, acc.at[dst_v.at[g0]], add=True)
        pltpu.async_copy(h_hbm.at[src_v.at[pl.ds((g0 + 2) * CHUNK, CHUNK)]], rows0, sem0)
        pltpu.sync_copy(ones_v, deg_sp.at[dst_v.at[g0]], add=True)
        pltpu.make_async_copy(h_hbm.at[src_v.at[pl.ds(g1 * CHUNK, CHUNK)]], rows1, sem1).wait()
        pltpu.sync_copy(rows1, acc.at[dst_v.at[g1]], add=True)

        @pl.when(g1 + 2 < NCHUNK)
        def _():
            pltpu.async_copy(h_hbm.at[src_v.at[pl.ds((g1 + 2) * CHUNK, CHUNK)]], rows1, sem1)

        pltpu.sync_copy(ones_v, deg_sp.at[dst_v.at[g1]], add=True)
        return carry

    lax.fori_loop(0, NCHUNK // 2, body, 0)
    pltpu.make_async_copy(h_hbm.at[src_v.at[pl.ds((NCHUNK - 1) * CHUNK, CHUNK)]], rows0, sem0).wait()
    pltpu.sync_copy(rows0, acc.at[dst_v.at[NCHUNK - 1]], add=True)
    pltpu.sync_copy(ones_v, deg_sp.at[dst_v.at[NCHUNK - 1]], add=True)
    plsc.subcore_barrier()
    pltpu.sync_copy(acc.at[pl.ds(s * RPT, RPT)],
                    out_hbm.at[c].at[pl.ds(s * RPT, RPT)])
    pltpu.sync_copy(deg_sp.at[pl.ds(s * RPT, RPT)], tmp_v.at[pl.ds(0, RPT)])
    pltpu.sync_copy(tmp_v.at[pl.ds(0, RPT)],
                    deg_hbm.at[c].at[0].at[pl.ds(s * RPT, RPT)])


_agg_deg_call = pl.kernel(
    _agg_deg_body,
    out_type=(jax.ShapeDtypeStruct((NC, N_PAD, FDIM), jnp.float32),
              jax.ShapeDtypeStruct((NC, 1, N_PAD), jnp.float32)),
    mesh=_SC_MESH,
    scratch_types=[
        pltpu.VMEM((EPW,), jnp.int32),
        pltpu.VMEM((NCHUNK, CHUNK), jnp.int32),
        pltpu.VMEM((CHUNK, FDIM), jnp.float32),
        pltpu.VMEM((CHUNK, FDIM), jnp.float32),
        pltpu.VMEM((CHUNK,), jnp.float32),
        pltpu.VMEM((640,), jnp.float32),
        pltpu.SemaphoreType.DMA,
        pltpu.SemaphoreType.DMA,
        pltpu.VMEM_SHARED((N_PAD, FDIM), jnp.float32),
        pltpu.VMEM_SHARED((N_PAD,), jnp.float32),
    ],
)


def _agg_body(h_hbm, src_hbm, dst_hbm, zeros_hbm, out_hbm,
              src_v, dst_v, rows0, rows1, sem0, sem1, acc):
    c = lax.axis_index("c")
    s = lax.axis_index("s")
    wid = s * NC + c

    pltpu.sync_copy(src_hbm.at[pl.ds(wid * EPW, EPW)], src_v)
    pltpu.sync_copy(dst_hbm.at[wid], dst_v)
    pltpu.async_copy(h_hbm.at[src_v.at[pl.ds(0, CHUNK)]], rows0, sem0)
    pltpu.async_copy(h_hbm.at[src_v.at[pl.ds(CHUNK, CHUNK)]], rows1, sem1)
    pltpu.sync_copy(zeros_hbm.at[pl.ds(s * RPT, RPT)],
                    acc.at[pl.ds(s * RPT, RPT)])
    plsc.subcore_barrier()

    def body(i, carry):
        g0 = 2 * i
        g1 = g0 + 1
        pltpu.make_async_copy(h_hbm.at[src_v.at[pl.ds(g0 * CHUNK, CHUNK)]], rows0, sem0).wait()
        pltpu.sync_copy(rows0, acc.at[dst_v.at[g0]], add=True)
        pltpu.async_copy(h_hbm.at[src_v.at[pl.ds((g0 + 2) * CHUNK, CHUNK)]], rows0, sem0)
        pltpu.make_async_copy(h_hbm.at[src_v.at[pl.ds(g1 * CHUNK, CHUNK)]], rows1, sem1).wait()
        pltpu.sync_copy(rows1, acc.at[dst_v.at[g1]], add=True)

        @pl.when(g1 + 2 < NCHUNK)
        def _():
            pltpu.async_copy(h_hbm.at[src_v.at[pl.ds((g1 + 2) * CHUNK, CHUNK)]], rows1, sem1)

        return carry

    lax.fori_loop(0, NCHUNK // 2, body, 0)
    pltpu.make_async_copy(h_hbm.at[src_v.at[pl.ds((NCHUNK - 1) * CHUNK, CHUNK)]], rows0, sem0).wait()
    pltpu.sync_copy(rows0, acc.at[dst_v.at[NCHUNK - 1]], add=True)
    plsc.subcore_barrier()
    pltpu.sync_copy(acc.at[pl.ds(s * RPT, RPT)],
                    out_hbm.at[c].at[pl.ds(s * RPT, RPT)])


_agg_call = pl.kernel(
    _agg_body,
    out_type=jax.ShapeDtypeStruct((NC, N_PAD, FDIM), jnp.float32),
    mesh=_SC_MESH,
    scratch_types=[
        pltpu.VMEM((EPW,), jnp.int32),
        pltpu.VMEM((NCHUNK, CHUNK), jnp.int32),
        pltpu.VMEM((CHUNK, FDIM), jnp.float32),
        pltpu.VMEM((CHUNK, FDIM), jnp.float32),
        pltpu.SemaphoreType.DMA,
        pltpu.SemaphoreType.DMA,
        pltpu.VMEM_SHARED((N_PAD, FDIM), jnp.float32),
    ],
)


def _mm(x, w):
    return lax.dot_general(x, w, (((1,), (1,)), ((), ())),
                           preferred_element_type=jnp.float32)


def _encoder_block(x_ref, w1_ref, b1_ref, w2_ref, b2_ref, o_ref):
    h = jnp.maximum(_mm(x_ref[...], w1_ref[...]) + b1_ref[...], 0.0)
    h = jnp.maximum(_mm(h, w2_ref[...]) + b2_ref[...], 0.0)
    o_ref[...] = h


def _combine_block(acc_ref, degt_ref, h_ref, wl_ref, bl_ref,
                   wr_ref, o_ref):
    deg = jnp.sum(degt_ref[...], axis=1, keepdims=True)
    recip = 1.0 / jnp.maximum(deg, 1.0)
    agg = (acc_ref[0] + acc_ref[1]) * recip
    out = _mm(agg, wl_ref[...]) + bl_ref[...] + _mm(h_ref[...], wr_ref[...])
    o_ref[...] = jnp.maximum(out, 0.0)


def _combine_dec_block(acc_ref, degt_ref, h_ref, wl_ref, bl_ref,
                       wr_ref, wd1_ref, bd1_ref, wd2_ref, bd2_ref,
                       h_out_ref, x_out_ref):
    deg = jnp.sum(degt_ref[...], axis=1, keepdims=True)
    recip = 1.0 / jnp.maximum(deg, 1.0)
    agg = (acc_ref[0] + acc_ref[1]) * recip
    out = _mm(agg, wl_ref[...]) + bl_ref[...] + _mm(h_ref[...], wr_ref[...])
    hn = jnp.maximum(out, 0.0)
    h_out_ref[...] = hn
    t = jnp.maximum(_mm(hn, wd1_ref[...]) + bd1_ref[...], 0.0)
    x_out_ref[...] = _mm(t, wd2_ref[...]) + bd2_ref[...]


_row_spec = pl.BlockSpec((ROW_BLK, FDIM), lambda i: (i, 0))
_w_spec = pl.BlockSpec((FDIM, FDIM), lambda i: (0, 0))
_b_spec = pl.BlockSpec((1, FDIM), lambda i: (0, 0))
_degt_spec = pl.BlockSpec((ROW_BLK, NC), lambda i: (i, 0))
_acc_spec = pl.BlockSpec((NC, ROW_BLK, FDIM), lambda i: (0, i, 0))

_encoder_call = pl.pallas_call(
    _encoder_block,
    grid=(N_ROW_BLKS,),
    in_specs=[_row_spec, _w_spec, _b_spec, _w_spec, _b_spec],
    out_specs=_row_spec,
    out_shape=jax.ShapeDtypeStruct((N_NODES, FDIM), jnp.float32),
)

_combine_call = pl.pallas_call(
    _combine_block,
    grid=(N_ROW_BLKS,),
    in_specs=[_acc_spec, _degt_spec, _row_spec, _w_spec, _b_spec,
              _w_spec],
    out_specs=_row_spec,
    out_shape=jax.ShapeDtypeStruct((N_NODES, FDIM), jnp.float32),
)

_combine_dec_call = pl.pallas_call(
    _combine_dec_block,
    grid=(N_ROW_BLKS,),
    in_specs=[_acc_spec, _degt_spec, _row_spec, _w_spec, _b_spec,
              _w_spec, _w_spec, _b_spec, _w_spec, _b_spec],
    out_specs=[_row_spec, _row_spec],
    out_shape=[jax.ShapeDtypeStruct((N_NODES, FDIM), jnp.float32),
               jax.ShapeDtypeStruct((N_NODES, FDIM), jnp.float32)],
)


@jax.jit
def kernel(x, edge_index, W1, b1, W2, b2, Wl0, bl0, Wr0, Wl1, bl1, Wr1,
           Wd1, bd1, Wd2, bd2):
    src = edge_index[0]
    dst = edge_index[1]
    dst3 = dst.reshape(NW, NCHUNK, CHUNK)
    zeros = jnp.zeros((N_PAD, FDIM), jnp.float32)

    h = _encoder_call(x, W1, b1.reshape(1, FDIM), W2, b2.reshape(1, FDIM))

    acc, deg_parts = _agg_deg_call(h, src, dst3, zeros)
    degt = deg_parts.reshape(NC, N_PAD).T
    h = _combine_call(acc, degt, h, Wl0, bl0.reshape(1, FDIM), Wr0)

    acc = _agg_call(h, src, dst3, zeros)
    h, x_decoded = _combine_dec_call(acc, degt, h, Wl1, bl1.reshape(1, FDIM),
                                     Wr1, Wd1, bd1.reshape(1, FDIM),
                                     Wd2, bd2.reshape(1, FDIM))
    return (x_decoded, h)

# --- scband reference (transcript-rebuilt; emitter-appended) ---
"""Pipeline reference for scband-lfgnn-88098369176053 (READ-ONLY COPY).

The authoritative reference and input builder live on the scoring server;
editing this copy changes nothing except your own understanding.
"""

import jax, jax.numpy as jnp
import numpy as np

N = 10000
E = 320000
D = 128
H = 128
O = 128
NUM_LAYERS = 2


def _init_linear(key, out_dim, in_dim):
    kw, kb = jax.random.split(key)
    bound = 1.0 / np.sqrt(in_dim)
    W = jax.random.uniform(kw, (out_dim, in_dim), minval=-bound, maxval=bound, dtype=jnp.float32)
    b = jax.random.uniform(kb, (out_dim,), minval=-bound, maxval=bound, dtype=jnp.float32)
    return W, b


def setup_inputs(seed: int = 0) -> dict:
    key = jax.random.key(seed)
    ks = jax.random.split(key, 16)
    inp = {}
    inp['x'] = jax.random.normal(ks[0], (N, D), dtype=jnp.float32)
    inp['edge_index'] = jax.random.randint(ks[1], (2, E), 0, N, dtype=jnp.int32)
    # encoder1, encoder2
    inp['W1'], inp['b1'] = _init_linear(ks[2], H, D)
    inp['W2'], inp['b2'] = _init_linear(ks[3], H, H)
    # SAGEConv layer 0: lin_l (with bias) for aggregated neighbors, lin_r (no bias) for root
    inp['Wl0'], inp['bl0'] = _init_linear(ks[4], H, H)
    inp['Wr0'], _ = _init_linear(ks[5], H, H)
    # SAGEConv layer 1
    inp['Wl1'], inp['bl1'] = _init_linear(ks[6], H, H)
    inp['Wr1'], _ = _init_linear(ks[7], H, H)
    # decoder: Linear(H,H) -> ReLU -> Linear(H,O)
    inp['Wd1'], inp['bd1'] = _init_linear(ks[8], H, H)
    inp['Wd2'], inp['bd2'] = _init_linear(ks[9], O, H)
    return inp


def _sage_conv(h, src, dst, Wl, bl, Wr):
    # PyG SAGEConv with aggr='mean': out = lin_l(mean_{j in N(i)} x_j) + lin_r(x_i)
    msg = jnp.take(h, src, axis=0)
    agg_sum = jax.ops.segment_sum(msg, dst, num_segments=N)
    deg = jax.ops.segment_sum(jnp.ones((E,), dtype=h.dtype), dst, num_segments=N)
    agg = agg_sum / jnp.clip(deg, 1.0, None)[:, None]
    return agg @ Wl.T + bl + h @ Wr.T


def reference(x, edge_index, W1, b1, W2, b2, Wl0, bl0, Wr0, Wl1, bl1, Wr1, Wd1, bd1, Wd2, bd2):
    src = edge_index[0]
    dst = edge_index[1]
    h = jax.nn.relu(x @ W1.T + b1)
    h = jax.nn.relu(h @ W2.T + b2)
    h = jax.nn.relu(_sage_conv(h, src, dst, Wl0, bl0, Wr0))
    h = jax.nn.relu(_sage_conv(h, src, dst, Wl1, bl1, Wr1))
    x_decoded = jax.nn.relu(h @ Wd1.T + bd1) @ Wd2.T + bd2
    return (x_decoded, h)

if __name__ == "__main__":
    import jax
    _d = setup_inputs()
    print(jax.jit(kernel)(*tuple(_d.values())))

</pallas_src>

<mosaic_0001>
#map = affine_map<(d0, d1) -> (0, 0)>
#map1 = affine_map<(d0, d1) -> (0)>
#map2 = affine_map<(d0, d1) -> (0, 0, 0)>
module attributes {stable_mosaic.version = 14 : i64} {
  func.func @_agg_body(%arg0: i32, %arg1: i32, %arg2: memref<10000x128xf32, #tpu.memory_space<hbm>>, %arg3: memref<320000xi32, #tpu.memory_space<hbm>>, %arg4: memref<32x125x80xi32, #tpu.memory_space<hbm>>, %arg5: memref<10112x128xf32, #tpu.memory_space<hbm>>, %arg6: memref<2x10112x128xf32, #tpu.memory_space<hbm>>, %arg7: memref<10000xi32, #tpu.memory_space<vmem>>, %arg8: memref<125x80xi32, #tpu.memory_space<vmem>>, %arg9: memref<80x128xf32, #tpu.memory_space<vmem>>, %arg10: memref<80x128xf32, #tpu.memory_space<vmem>>, %arg11: memref<!tpu.dma_semaphore, #tpu.memory_space<semaphore_mem>>, %arg12: memref<!tpu.dma_semaphore, #tpu.memory_space<semaphore_mem>>, %arg13: memref<10112x128xf32, #tpu.memory_space<vmem_shared>>) attributes {dimension_semantics = [#tpu.dimension_semantics<core_parallel>, #tpu.dimension_semantics<subcore_parallel>], iteration_bounds = array<i64: 2, 16>, scalar_prefetch = 0 : i64, scratch_operands = 7 : i64, tpu.core_type = #tpu.core_type<sc_vector_subcore>, window_params = [{transform_indices = #map}, {transform_indices = #map1}, {transform_indices = #map2}, {transform_indices = #map}, {transform_indices = #map2}]} {
    %mul3A = arith.constant 2 : i32
    %mul3A_0 = arith.muli %arg1, %mul3A : i32
    %add3A = arith.addi %mul3A_0, %arg0 : i32
    %mul3A_1 = arith.constant 10000 : i32
    %mul3A_2 = arith.muli %add3A, %mul3A_1 : i32
    "tpu.region"() ({
      %run_scoped3A_30 = tpu.sem_alloc : memref<!tpu.dma_semaphore, #tpu.memory_space<semaphore_mem>>
      %dma_start3A_31 = tpu.memref_slice %arg3[%mul3A_2] : memref<320000xi32, #tpu.memory_space<hbm>> -> memref<10000xi32, #tpu.memory_space<hbm>>
      %dma_start3A_32 = tpu.memref_slice %arg3[%mul3A_2] : memref<320000xi32, #tpu.memory_space<hbm>> -> memref<10000xi32, #tpu.memory_space<hbm>>
      tpu.enqueue_dma source(%dma_start3A_32 : memref<10000xi32, #tpu.memory_space<hbm>>) target(%arg7 : memref<10000xi32, #tpu.memory_space<vmem>>) target_semaphore(%run_scoped3A_30 : memref<!tpu.dma_semaphore, #tpu.memory_space<semaphore_mem>>)
      %dma_wait3A_33 = tpu.memref_slice %arg3[%mul3A_2] : memref<320000xi32, #tpu.memory_space<hbm>> -> memref<10000xi32, #tpu.memory_space<hbm>>
      %dma_wait3A_34 = tpu.memref_slice %arg3[%mul3A_2] : memref<320000xi32, #tpu.memory_space<hbm>> -> memref<10000xi32, #tpu.memory_space<hbm>>
      tpu.wait_dma2 semaphore(%run_scoped3A_30 : memref<!tpu.dma_semaphore, #tpu.memory_space<semaphore_mem>>) src(%dma_wait3A_34 : memref<10000xi32, #tpu.memory_space<hbm>>) dst(%arg7 : memref<10000xi32, #tpu.memory_space<vmem>>)
      tpu.yield
    }) : () -> ()
    "tpu.region"() ({
      %run_scoped3A_30 = tpu.sem_alloc : memref<!tpu.dma_semaphore, #tpu.memory_space<semaphore_mem>>
      %dma_start3A_31 = arith.constant 0 : i32
      %dma_start3A_32 = arith.constant 0 : i32
      %dma_start3A_33 = tpu.memref_slice %arg4[%add3A, %dma_start3A_31, %dma_start3A_32] : memref<32x125x80xi32, #tpu.memory_space<hbm>> -> memref<1x125x80xi32, #tpu.memory_space<hbm>>
      %dma_start3A_34 = tpu.memref_squeeze %dma_start3A_33 : memref<1x125x80xi32, #tpu.memory_space<hbm>> -> memref<125x80xi32, #tpu.memory_space<hbm>>
      %dma_start3A_35 = arith.constant 0 : i32
      %dma_start3A_36 = arith.constant 0 : i32
      %dma_start3A_37 = tpu.memref_slice %arg4[%add3A, %dma_start3A_35, %dma_start3A_36] : memref<32x125x80xi32, #tpu.memory_space<hbm>> -> memref<1x125x80xi32, #tpu.memory_space<hbm>>
      %dma_start3A_38 = tpu.memref_squeeze %dma_start3A_37 : memref<1x125x80xi32, #tpu.memory_space<hbm>> -> memref<125x80xi32, #tpu.memory_space<hbm>>
      tpu.enqueue_dma source(%dma_start3A_38 : memref<125x80xi32, #tpu.memory_space<hbm>>) target(%arg8 : memref<125x80xi32, #tpu.memory_space<vmem>>) target_semaphore(%run_scoped3A_30 : memref<!tpu.dma_semaphore, #tpu.memory_space<semaphore_mem>>)
      %dma_wait3A_39 = arith.constant 0 : i32
      %dma_wait3A_40 = arith.constant 0 : i32
      %dma_wait3A_41 = tpu.memref_slice %arg4[%add3A, %dma_wait3A_39, %dma_wait3A_40] : memref<32x125x80xi32, #tpu.memory_space<hbm>> -> memref<1x125x80xi32, #tpu.memory_space<hbm>>
      %dma_wait3A_42 = tpu.memref_squeeze %dma_wait3A_41 : memref<1x125x80xi32, #tpu.memory_space<hbm>> -> memref<125x80xi32, #tpu.memory_space<hbm>>
      %dma_wait3A_43 = arith.constant 0 : i32
      %dma_wait3A_44 = arith.constant 0 : i32
      %dma_wait3A_45 = tpu.memref_slice %arg4[%add3A, %dma_wait3A_43, %dma_wait3A_44] : memref<32x125x80xi32, #tpu.memory_space<hbm>> -> memref<1x125x80xi32, #tpu.memory_space<hbm>>
      %dma_wait3A_46 = tpu.memref_squeeze %dma_wait3A_45 : memref<1x125x80xi32, #tpu.memory_space<hbm>> -> memref<125x80xi32, #tpu.memory_space<hbm>>
      tpu.wait_dma2 semaphore(%run_scoped3A_30 : memref<!tpu.dma_semaphore, #tpu.memory_space<semaphore_mem>>) src(%dma_wait3A_46 : memref<125x80xi32, #tpu.memory_space<hbm>>) dst(%arg8 : memref<125x80xi32, #tpu.memory_space<vmem>>)
      tpu.yield
    }) : () -> ()
    %dma_start3A = arith.constant 0 : i32
    %dma_start3A_3 = tpu.memref_slice %arg7[%dma_start3A] : memref<10000xi32, #tpu.memory_space<vmem>> -> memref<80xi32, #tpu.memory_space<vmem>>
    %dma_start3A_4 = arith.constant 0 : i32
    %dma_start3A_5 = arith.constant 0 : i32
    %dma_start3A_6 = tpu.memref_slice %arg2[%dma_start3A_4, %dma_start3A_5] : memref<10000x128xf32, #tpu.memory_space<hbm>> -> memref<10000x128xf32, #tpu.memory_space<hbm>>
    tpu.enqueue_indirect_dma source(%dma_start3A_6 : memref<10000x128xf32, #tpu.memory_space<hbm>>) target(%arg9 : memref<80x128xf32, #tpu.memory_space<vmem>>) offsets(%dma_start3A_3 : memref<80xi32, #tpu.memory_space<vmem>>) semaphore(%arg11 : memref<!tpu.dma_semaphore, #tpu.memory_space<semaphore_mem>>)
    %dma_start3A_7 = arith.constant 80 : i32
    %dma_start3A_8 = tpu.memref_slice %arg7[%dma_start3A_7] : memref<10000xi32, #tpu.memory_space<vmem>> -> memref<80xi32, #tpu.memory_space<vmem>>
    %dma_start3A_9 = arith.constant 0 : i32
    %dma_start3A_10 = arith.constant 0 : i32
    %dma_start3A_11 = tpu.memref_slice %arg2[%dma_start3A_9, %dma_start3A_10] : memref<10000x128xf32, #tpu.memory_space<hbm>> -> memref<10000x128xf32, #tpu.memory_space<hbm>>
    tpu.enqueue_indirect_dma source(%dma_start3A_11 : memref<10000x128xf32, #tpu.memory_space<hbm>>) target(%arg10 : memref<80x128xf32, #tpu.memory_space<vmem>>) offsets(%dma_start3A_8 : memref<80xi32, #tpu.memory_space<vmem>>) semaphore(%arg12 : memref<!tpu.dma_semaphore, #tpu.memory_space<semaphore_mem>>)
    %mul3A_12 = arith.constant 632 : i32
    %mul3A_13 = arith.muli %arg1, %mul3A_12 : i32
    %mul3A_14 = arith.constant 632 : i32
    %mul3A_15 = arith.muli %arg1, %mul3A_14 : i32
    "tpu.region"() ({
      %run_scoped3A_30 = tpu.sem_alloc : memref<!tpu.dma_semaphore, #tpu.memory_space<semaphore_mem>>
      %dma_start3A_31 = arith.constant 0 : i32
      %dma_start3A_32 = tpu.memref_slice %arg13[%mul3A_15, %dma_start3A_31] : memref<10112x128xf32, #tpu.memory_space<vmem_shared>> -> memref<632x128xf32, #tpu.memory_space<vmem_shared>>
      %dma_start3A_33 = arith.constant 0 : i32
      %dma_start3A_34 = tpu.memref_slice %arg5[%mul3A_13, %dma_start3A_33] : memref<10112x128xf32, #tpu.memory_space<hbm>> -> memref<632x128xf32, #tpu.memory_space<hbm>>
      tpu.enqueue_dma source(%dma_start3A_34 : memref<632x128xf32, #tpu.memory_space<hbm>>) target(%dma_start3A_32 : memref<632x128xf32, #tpu.memory_space<vmem_shared>>) target_semaphore(%run_scoped3A_30 : memref<!tpu.dma_semaphore, #tpu.memory_space<semaphore_mem>>)
      %dma_wait3A_35 = arith.constant 0 : i32
      %dma_wait3A_36 = tpu.memref_slice %arg13[%mul3A_15, %dma_wait3A_35] : memref<10112x128xf32, #tpu.memory_space<vmem_shared>> -> memref<632x128xf32, #tpu.memory_space<vmem_shared>>
      %dma_wait3A_37 = arith.constant 0 : i32
      %dma_wait3A_38 = tpu.memref_slice %arg5[%mul3A_13, %dma_wait3A_37] : memref<10112x128xf32, #tpu.memory_space<hbm>> -> memref<632x128xf32, #tpu.memory_space<hbm>>
      tpu.wait_dma2 semaphore(%run_scoped3A_30 : memref<!tpu.dma_semaphore, #tpu.memory_space<semaphore_mem>>) src(%dma_wait3A_38 : memref<632x128xf32, #tpu.memory_space<hbm>>) dst(%dma_wait3A_36 : memref<632x128xf32, #tpu.memory_space<vmem_shared>>)
      tpu.yield
    }) : () -> ()
    %barrier3A = arith.constant 0 : index
    tpu.barrier barrier_id(%barrier3A)
    %scan3A = arith.constant 0 : i32
    %scan3A_16 = arith.constant 0 : i32
    %scan3A_17 = arith.constant 62 : i32
    %scan3A_18 = arith.addi %scan3A_16, %scan3A_17 : i32
    %scan3A_19 = arith.constant 1 : i32
    scf.for %scan3A_30 = %scan3A_16 to %scan3A_18 step %scan3A_19  : i32 {
      %mul3A_31 = arith.constant 2 : i32
      %mul3A_32 = arith.muli %mul3A_31, %scan3A_30 : i32
      %add3A_33 = arith.constant 1 : i32
      %add3A_34 = arith.addi %mul3A_32, %add3A_33 : i32
      %mul3A_35 = arith.constant 80 : i32
      %mul3A_36 = arith.muli %mul3A_32, %mul3A_35 : i32
      %dma_wait3A_37 = tpu.memref_slice %arg7[%mul3A_36] : memref<10000xi32, #tpu.memory_space<vmem>> -> memref<80xi32, #tpu.memory_space<vmem>>
      %dma_wait3A_38 = arith.constant 0 : i32
      %dma_wait3A_39 = arith.constant 0 : i32
      %dma_wait3A_40 = tpu.memref_slice %arg2[%dma_wait3A_38, %dma_wait3A_39] : memref<10000x128xf32, #tpu.memory_space<hbm>> -> memref<10000x128xf32, #tpu.memory_space<hbm>>
      tpu.wait_indirect_dma semaphore(%arg11 : memref<!tpu.dma_semaphore, #tpu.memory_space<semaphore_mem>>) src(%dma_wait3A_40 : memref<10000x128xf32, #tpu.memory_space<hbm>>) dst(%arg9 : memref<80x128xf32, #tpu.memory_space<vmem>>)
      "tpu.region"() ({
        %run_scoped3A_59 = tpu.sem_alloc : memref<!tpu.dma_semaphore, #tpu.memory_space<semaphore_mem>>
        %dma_start3A_60 = arith.constant 0 : i32
        %dma_start3A_61 = tpu.memref_slice %arg8[%mul3A_32, %dma_start3A_60] : memref<125x80xi32, #tpu.memory_space<vmem>> -> memref<1x80xi32, #tpu.memory_space<vmem>>
        %dma_start3A_62 = tpu.memref_squeeze %dma_start3A_61 : memref<1x80xi32, #tpu.memory_space<vmem>> -> memref<80xi32, #tpu.memory_space<vmem>>
        %dma_start3A_63 = arith.constant 0 : i32
        %dma_start3A_64 = arith.constant 0 : i32
        %dma_start3A_65 = tpu.memref_slice %arg13[%dma_start3A_63, %dma_start3A_64] : memref<10112x128xf32, #tpu.memory_space<vmem_shared>> -> memref<10112x128xf32, #tpu.memory_space<vmem_shared>>
        tpu.enqueue_indirect_dma source(%arg9 : memref<80x128xf32, #tpu.memory_space<vmem>>) target(%dma_start3A_65 : memref<10112x128xf32, #tpu.memory_space<vmem_shared>>) offsets(%dma_start3A_62 : memref<80xi32, #tpu.memory_space<vmem>>) semaphore(%run_scoped3A_59 : memref<!tpu.dma_semaphore, #tpu.memory_space<semaphore_mem>>) {add = true}
        %dma_wait3A_66 = arith.constant 0 : i32
        %dma_wait3A_67 = tpu.memref_slice %arg8[%mul3A_32, %dma_wait3A_66] : memref<125x80xi32, #tpu.memory_space<vmem>> -> memref<1x80xi32, #tpu.memory_space<vmem>>
        %dma_wait3A_68 = tpu.memref_squeeze %dma_wait3A_67 : memref<1x80xi32, #tpu.memory_space<vmem>> -> memref<80xi32, #tpu.memory_space<vmem>>
        %dma_wait3A_69 = arith.constant 0 : i32
        %dma_wait3A_70 = arith.constant 0 : i32
        %dma_wait3A_71 = tpu.memref_slice %arg13[%dma_wait3A_69, %dma_wait3A_70] : memref<10112x128xf32, #tpu.memory_space<vmem_shared>> -> memref<10112x128xf32, #tpu.memory_space<vmem_shared>>
        tpu.wait_indirect_dma semaphore(%run_scoped3A_59 : memref<!tpu.dma_semaphore, #tpu.memory_space<semaphore_mem>>) src(%arg9 : memref<80x128xf32, #tpu.memory_space<vmem>>) dst(%dma_wait3A_71 : memref<10112x128xf32, #tpu.memory_space<vmem_shared>>)
        tpu.yield
      }) : () -> ()
      %add3A_41 = arith.constant 2 : i32
      %add3A_42 = arith.addi %mul3A_32, %add3A_41 : i32
      %mul3A_43 = arith.constant 80 : i32
      %mul3A_44 = arith.muli %add3A_42, %mul3A_43 : i32
      %dma_start3A_45 = tpu.memref_slice %arg7[%mul3A_44] : memref<10000xi32, #tpu.memory_space<vmem>> -> memref<80xi32, #tpu.memory_space<vmem>>
      %dma_start3A_46 = arith.constant 0 : i32
      %dma_start3A_47 = arith.constant 0 : i32
      %dma_start3A_48 = tpu.memref_slice %arg2[%dma_start3A_46, %dma_start3A_47] : memref<10000x128xf32, #tpu.memory_space<hbm>> -> memref<10000x128xf32, #tpu.memory_space<hbm>>
      tpu.enqueue_indirect_dma source(%dma_start3A_48 : memref<10000x128xf32, #tpu.memory_space<hbm>>) target(%arg9 : memref<80x128xf32, #tpu.memory_space<vmem>>) offsets(%dma_start3A_45 : memref<80xi32, #tpu.memory_space<vmem>>) semaphore(%arg11 : memref<!tpu.dma_semaphore, #tpu.memory_space<semaphore_mem>>)
      %mul3A_49 = arith.constant 80 : i32
      %mul3A_50 = arith.muli %add3A_34, %mul3A_49 : i32
      %dma_wait3A_51 = tpu.memref_slice %arg7[%mul3A_50] : memref<10000xi32, #tpu.memory_space<vmem>> -> memref<80xi32, #tpu.memory_space<vmem>>
      %dma_wait3A_52 = arith.constant 0 : i32
      %dma_wait3A_53 = arith.constant 0 : i32
      %dma_wait3A_54 = tpu.memref_slice %arg2[%dma_wait3A_52, %dma_wait3A_53] : memref<10000x128xf32, #tpu.memory_space<hbm>> -> memref<10000x128xf32, #tpu.memory_space<hbm>>
      tpu.wait_indirect_dma semaphore(%arg12 : memref<!tpu.dma_semaphore, #tpu.memory_space<semaphore_mem>>) src(%dma_wait3A_54 : memref<10000x128xf32, #tpu.memory_space<hbm>>) dst(%arg10 : memref<80x128xf32, #tpu.memory_space<vmem>>)
      "tpu.region"() ({
        %run_scoped3A_59 = tpu.sem_alloc : memref<!tpu.dma_semaphore, #tpu.memory_space<semaphore_mem>>
        %dma_start3A_60 = arith.constant 0 : i32
        %dma_start3A_61 = tpu.memref_slice %arg8[%add3A_34, %dma_start3A_60] : memref<125x80xi32, #tpu.memory_space<vmem>> -> memref<1x80xi32, #tpu.memory_space<vmem>>
        %dma_start3A_62 = tpu.memref_squeeze %dma_start3A_61 : memref<1x80xi32, #tpu.memory_space<vmem>> -> memref<80xi32, #tpu.memory_space<vmem>>
        %dma_start3A_63 = arith.constant 0 : i32
        %dma_start3A_64 = arith.constant 0 : i32
        %dma_start3A_65 = tpu.memref_slice %arg13[%dma_start3A_63, %dma_start3A_64] : memref<10112x128xf32, #tpu.memory_space<vmem_shared>> -> memref<10112x128xf32, #tpu.memory_space<vmem_shared>>
        tpu.enqueue_indirect_dma source(%arg10 : memref<80x128xf32, #tpu.memory_space<vmem>>) target(%dma_start3A_65 : memref<10112x128xf32, #tpu.memory_space<vmem_shared>>) offsets(%dma_start3A_62 : memref<80xi32, #tpu.memory_space<vmem>>) semaphore(%run_scoped3A_59 : memref<!tpu.dma_semaphore, #tpu.memory_space<semaphore_mem>>) {add = true}
        %dma_wait3A_66 = arith.constant 0 : i32
        %dma_wait3A_67 = tpu.memref_slice %arg8[%add3A_34, %dma_wait3A_66] : memref<125x80xi32, #tpu.memory_space<vmem>> -> memref<1x80xi32, #tpu.memory_space<vmem>>
        %dma_wait3A_68 = tpu.memref_squeeze %dma_wait3A_67 : memref<1x80xi32, #tpu.memory_space<vmem>> -> memref<80xi32, #tpu.memory_space<vmem>>
        %dma_wait3A_69 = arith.constant 0 : i32
        %dma_wait3A_70 = arith.constant 0 : i32
        %dma_wait3A_71 = tpu.memref_slice %arg13[%dma_wait3A_69, %dma_wait3A_70] : memref<10112x128xf32, #tpu.memory_space<vmem_shared>> -> memref<10112x128xf32, #tpu.memory_space<vmem_shared>>
        tpu.wait_indirect_dma semaphore(%run_scoped3A_59 : memref<!tpu.dma_semaphore, #tpu.memory_space<semaphore_mem>>) src(%arg10 : memref<80x128xf32, #tpu.memory_space<vmem>>) dst(%dma_wait3A_71 : memref<10112x128xf32, #tpu.memory_space<vmem_shared>>)
        tpu.yield
      }) : () -> ()
      %add3A_55 = arith.constant 2 : i32
      %add3A_56 = arith.addi %add3A_34, %add3A_55 : i32
      %lt3A = arith.constant 125 : i32
      %lt3A_57 = arith.cmpi slt, %add3A_56, %lt3A : i32
      %convert_element_type3A = arith.extui %lt3A_57 : i1 to i32
      %cond3A = arith.constant 0 : i32
      %cond3A_58 = arith.cmpi ne, %convert_element_type3A, %cond3A : i32
      scf.if %cond3A_58 {
        %add3A_59 = arith.constant 2 : i32
        %add3A_60 = arith.addi %add3A_34, %add3A_59 : i32
        %mul3A_61 = arith.constant 80 : i32
        %mul3A_62 = arith.muli %add3A_60, %mul3A_61 : i32
        %dma_start3A_63 = tpu.memref_slice %arg7[%mul3A_62] : memref<10000xi32, #tpu.memory_space<vmem>> -> memref<80xi32, #tpu.memory_space<vmem>>
        %dma_start3A_64 = arith.constant 0 : i32
        %dma_start3A_65 = arith.constant 0 : i32
        %dma_start3A_66 = tpu.memref_slice %arg2[%dma_start3A_64, %dma_start3A_65] : memref<10000x128xf32, #tpu.memory_space<hbm>> -> memref<10000x128xf32, #tpu.memory_space<hbm>>
        tpu.enqueue_indirect_dma source(%dma_start3A_66 : memref<10000x128xf32, #tpu.memory_space<hbm>>) target(%arg10 : memref<80x128xf32, #tpu.memory_space<vmem>>) offsets(%dma_start3A_63 : memref<80xi32, #tpu.memory_space<vmem>>) semaphore(%arg12 : memref<!tpu.dma_semaphore, #tpu.memory_space<semaphore_mem>>)
      } else {
      }
    }
    %scan3A_20 = arith.constant 62 : i32
    %dma_wait3A = arith.constant 9920 : i32
    %dma_wait3A_21 = tpu.memref_slice %arg7[%dma_wait3A] : memref<10000xi32, #tpu.memory_space<vmem>> -> memref<80xi32, #tpu.memory_space<vmem>>
    %dma_wait3A_22 = arith.constant 0 : i32
    %dma_wait3A_23 = arith.constant 0 : i32
    %dma_wait3A_24 = tpu.memref_slice %arg2[%dma_wait3A_22, %dma_wait3A_23] : memref<10000x128xf32, #tpu.memory_space<hbm>> -> memref<10000x128xf32, #tpu.memory_space<hbm>>
    tpu.wait_indirect_dma semaphore(%arg11 : memref<!tpu.dma_semaphore, #tpu.memory_space<semaphore_mem>>) src(%dma_wait3A_24 : memref<10000x128xf32, #tpu.memory_space<hbm>>) dst(%arg9 : memref<80x128xf32, #tpu.memory_space<vmem>>)
    %run_scoped3A = arith.constant 124 : i32
    "tpu.region"() ({
      %run_scoped3A_30 = tpu.sem_alloc : memref<!tpu.dma_semaphore, #tpu.memory_space<semaphore_mem>>
      %dma_start3A_31 = arith.constant 0 : i32
      %dma_start3A_32 = tpu.memref_slice %arg8[%run_scoped3A, %dma_start3A_31] : memref<125x80xi32, #tpu.memory_space<vmem>> -> memref<1x80xi32, #tpu.memory_space<vmem>>
      %dma_start3A_33 = tpu.memref_squeeze %dma_start3A_32 : memref<1x80xi32, #tpu.memory_space<vmem>> -> memref<80xi32, #tpu.memory_space<vmem>>
      %dma_start3A_34 = arith.constant 0 : i32
      %dma_start3A_35 = arith.constant 0 : i32
      %dma_start3A_36 = tpu.memref_slice %arg13[%dma_start3A_34, %dma_start3A_35] : memref<10112x128xf32, #tpu.memory_space<vmem_shared>> -> memref<10112x128xf32, #tpu.memory_space<vmem_shared>>
      tpu.enqueue_indirect_dma source(%arg9 : memref<80x128xf32, #tpu.memory_space<vmem>>) target(%dma_start3A_36 : memref<10112x128xf32, #tpu.memory_space<vmem_shared>>) offsets(%dma_start3A_33 : memref<80xi32, #tpu.memory_space<vmem>>) semaphore(%run_scoped3A_30 : memref<!tpu.dma_semaphore, #tpu.memory_space<semaphore_mem>>) {add = true}
      %dma_wait3A_37 = arith.constant 0 : i32
      %dma_wait3A_38 = tpu.memref_slice %arg8[%run_scoped3A, %dma_wait3A_37] : memref<125x80xi32, #tpu.memory_space<vmem>> -> memref<1x80xi32, #tpu.memory_space<vmem>>
      %dma_wait3A_39 = tpu.memref_squeeze %dma_wait3A_38 : memref<1x80xi32, #tpu.memory_space<vmem>> -> memref<80xi32, #tpu.memory_space<vmem>>
      %dma_wait3A_40 = arith.constant 0 : i32
      %dma_wait3A_41 = arith.constant 0 : i32
      %dma_wait3A_42 = tpu.memref_slice %arg13[%dma_wait3A_40, %dma_wait3A_41] : memref<10112x128xf32, #tpu.memory_space<vmem_shared>> -> memref<10112x128xf32, #tpu.memory_space<vmem_shared>>
      tpu.wait_indirect_dma semaphore(%run_scoped3A_30 : memref<!tpu.dma_semaphore, #tpu.memory_space<semaphore_mem>>) src(%arg9 : memref<80x128xf32, #tpu.memory_space<vmem>>) dst(%dma_wait3A_42 : memref<10112x128xf32, #tpu.memory_space<vmem_shared>>)
      tpu.yield
    }) : () -> ()
    %barrier3A_25 = arith.constant 0 : index
    tpu.barrier barrier_id(%barrier3A_25)
    %mul3A_26 = arith.constant 632 : i32
    %mul3A_27 = arith.muli %arg1, %mul3A_26 : i32
    %mul3A_28 = arith.constant 632 : i32
    %mul3A_29 = arith.muli %arg1, %mul3A_28 : i32
    "tpu.region"() ({
      %run_scoped3A_30 = tpu.sem_alloc : memref<!tpu.dma_semaphore, #tpu.memory_space<semaphore_mem>>
      %dma_start3A_31 = arith.constant 0 : i32
      %dma_start3A_32 = arith.constant 0 : i32
      %dma_start3A_33 = tpu.memref_slice %arg6[%arg0, %dma_start3A_31, %dma_start3A_32] : memref<2x10112x128xf32, #tpu.memory_space<hbm>> -> memref<1x10112x128xf32, #tpu.memory_space<hbm>>
      %dma_start3A_34 = tpu.memref_squeeze %dma_start3A_33 : memref<1x10112x128xf32, #tpu.memory_space<hbm>> -> memref<10112x128xf32, #tpu.memory_space<hbm>>
      %dma_start3A_35 = arith.constant 0 : i32
      %dma_start3A_36 = tpu.memref_slice %dma_start3A_34[%mul3A_29, %dma_start3A_35] : memref<10112x128xf32, #tpu.memory_space<hbm>> -> memref<632x128xf32, #tpu.memory_space<hbm>>
      %dma_start3A_37 = arith.constant 0 : i32
      %dma_start3A_38 = tpu.memref_slice %arg13[%mul3A_27, %dma_start3A_37] : memref<10112x128xf32, #tpu.memory_space<vmem_shared>> -> memref<632x128xf32, #tpu.memory_space<vmem_shared>>
      tpu.enqueue_dma source(%dma_start3A_38 : memref<632x128xf32, #tpu.memory_space<vmem_shared>>) target(%dma_start3A_36 : memref<632x128xf32, #tpu.memory_space<hbm>>) target_semaphore(%run_scoped3A_30 : memref<!tpu.dma_semaphore, #tpu.memory_space<semaphore_mem>>)
      %dma_wait3A_39 = arith.constant 0 : i32
      %dma_wait3A_40 = arith.constant 0 : i32
      %dma_wait3A_41 = tpu.memref_slice %arg6[%arg0, %dma_wait3A_39, %dma_wait3A_40] : memref<2x10112x128xf32, #tpu.memory_space<hbm>> -> memref<1x10112x128xf32, #tpu.memory_space<hbm>>
      %dma_wait3A_42 = tpu.memref_squeeze %dma_wait3A_41 : memref<1x10112x128xf32, #tpu.memory_space<hbm>> -> memref<10112x128xf32, #tpu.memory_space<hbm>>
      %dma_wait3A_43 = arith.constant 0 : i32
      %dma_wait3A_44 = tpu.memref_slice %dma_wait3A_42[%mul3A_29, %dma_wait3A_43] : memref<10112x128xf32, #tpu.memory_space<hbm>> -> memref<632x128xf32, #tpu.memory_space<hbm>>
      %dma_wait3A_45 = arith.constant 0 : i32
      %dma_wait3A_46 = tpu.memref_slice %arg13[%mul3A_27, %dma_wait3A_45] : memref<10112x128xf32, #tpu.memory_space<vmem_shared>> -> memref<632x128xf32, #tpu.memory_space<vmem_shared>>
      tpu.wait_dma2 semaphore(%run_scoped3A_30 : memref<!tpu.dma_semaphore, #tpu.memory_space<semaphore_mem>>) src(%dma_wait3A_46 : memref<632x128xf32, #tpu.memory_space<vmem_shared>>) dst(%dma_wait3A_44 : memref<632x128xf32, #tpu.memory_space<hbm>>)
      tpu.yield
    }) : () -> ()
    return
  }
}

#map = affine_map<(d0, d1) -> (0, 0)>
#map1 = affine_map<(d0, d1) -> (0)>
#map2 = affine_map<(d0, d1) -> (0, 0, 0)>
module attributes {stable_mosaic.version = 14 : i64} {
  func.func @_agg_deg_body(%arg0: i32, %arg1: i32, %arg2: memref<10000x128xf32, #tpu.memory_space<hbm>>, %arg3: memref<320000xi32, #tpu.memory_space<hbm>>, %arg4: memref<32x125x80xi32, #tpu.memory_space<hbm>>, %arg5: memref<10112x128xf32, #tpu.memory_space<hbm>>, %arg6: memref<2x10112x128xf32, #tpu.memory_space<hbm>>, %arg7: memref<2x1x10112xf32, #tpu.memory_space<hbm>>, %arg8: memref<10000xi32, #tpu.memory_space<vmem>>, %arg9: memref<125x80xi32, #tpu.memory_space<vmem>>, %arg10: memref<80x128xf32, #tpu.memory_space<vmem>>, %arg11: memref<80x128xf32, #tpu.memory_space<vmem>>, %arg12: memref<80xf32, #tpu.memory_space<vmem>>, %arg13: memref<640xf32, #tpu.memory_space<vmem>>, %arg14: memref<!tpu.dma_semaphore, #tpu.memory_space<semaphore_mem>>, %arg15: memref<!tpu.dma_semaphore, #tpu.memory_space<semaphore_mem>>, %arg16: memref<10112x128xf32, #tpu.memory_space<vmem_shared>>, %arg17: memref<10112xf32, #tpu.memory_space<vmem_shared>>) attributes {dimension_semantics = [#tpu.dimension_semantics<core_parallel>, #tpu.dimension_semantics<subcore_parallel>], iteration_bounds = array<i64: 2, 16>, scalar_prefetch = 0 : i64, scratch_operands = 10 : i64, tpu.core_type = #tpu.core_type<sc_vector_subcore>, window_params = [{transform_indices = #map}, {transform_indices = #map1}, {transform_indices = #map2}, {transform_indices = #map}, {transform_indices = #map2}, {transform_indices = #map2}]} {
    %mul3A = arith.constant 2 : i32
    %mul3A_0 = arith.muli %arg1, %mul3A : i32
    %add3A = arith.addi %mul3A_0, %arg0 : i32
    %mul3A_1 = arith.constant 10000 : i32
    %mul3A_2 = arith.muli %add3A, %mul3A_1 : i32
    "tpu.region"() ({
      %run_scoped3A_50 = tpu.sem_alloc : memref<!tpu.dma_semaphore, #tpu.memory_space<semaphore_mem>>
      %dma_start3A_51 = tpu.memref_slice %arg3[%mul3A_2] : memref<320000xi32, #tpu.memory_space<hbm>> -> memref<10000xi32, #tpu.memory_space<hbm>>
      %dma_start3A_52 = tpu.memref_slice %arg3[%mul3A_2] : memref<320000xi32, #tpu.memory_space<hbm>> -> memref<10000xi32, #tpu.memory_space<hbm>>
      tpu.enqueue_dma source(%dma_start3A_52 : memref<10000xi32, #tpu.memory_space<hbm>>) target(%arg8 : memref<10000xi32, #tpu.memory_space<vmem>>) target_semaphore(%run_scoped3A_50 : memref<!tpu.dma_semaphore, #tpu.memory_space<semaphore_mem>>)
      %dma_wait3A_53 = tpu.memref_slice %arg3[%mul3A_2] : memref<320000xi32, #tpu.memory_space<hbm>> -> memref<10000xi32, #tpu.memory_space<hbm>>
      %dma_wait3A_54 = tpu.memref_slice %arg3[%mul3A_2] : memref<320000xi32, #tpu.memory_space<hbm>> -> memref<10000xi32, #tpu.memory_space<hbm>>
      tpu.wait_dma2 semaphore(%run_scoped3A_50 : memref<!tpu.dma_semaphore, #tpu.memory_space<semaphore_mem>>) src(%dma_wait3A_54 : memref<10000xi32, #tpu.memory_space<hbm>>) dst(%arg8 : memref<10000xi32, #tpu.memory_space<vmem>>)
      tpu.yield
    }) : () -> ()
    "tpu.region"() ({
      %run_scoped3A_50 = tpu.sem_alloc : memref<!tpu.dma_semaphore, #tpu.memory_space<semaphore_mem>>
      %dma_start3A_51 = arith.constant 0 : i32
      %dma_start3A_52 = arith.constant 0 : i32
      %dma_start3A_53 = tpu.memref_slice %arg4[%add3A, %dma_start3A_51, %dma_start3A_52] : memref<32x125x80xi32, #tpu.memory_space<hbm>> -> memref<1x125x80xi32, #tpu.memory_space<hbm>>
      %dma_start3A_54 = tpu.memref_squeeze %dma_start3A_53 : memref<1x125x80xi32, #tpu.memory_space<hbm>> -> memref<125x80xi32, #tpu.memory_space<hbm>>
      %dma_start3A_55 = arith.constant 0 : i32
      %dma_start3A_56 = arith.constant 0 : i32
      %dma_start3A_57 = tpu.memref_slice %arg4[%add3A, %dma_start3A_55, %dma_start3A_56] : memref<32x125x80xi32, #tpu.memory_space<hbm>> -> memref<1x125x80xi32, #tpu.memory_space<hbm>>
      %dma_start3A_58 = tpu.memref_squeeze %dma_start3A_57 : memref<1x125x80xi32, #tpu.memory_space<hbm>> -> memref<125x80xi32, #tpu.memory_space<hbm>>
      tpu.enqueue_dma source(%dma_start3A_58 : memref<125x80xi32, #tpu.memory_space<hbm>>) target(%arg9 : memref<125x80xi32, #tpu.memory_space<vmem>>) target_semaphore(%run_scoped3A_50 : memref<!tpu.dma_semaphore, #tpu.memory_space<semaphore_mem>>)
      %dma_wait3A_59 = arith.constant 0 : i32
      %dma_wait3A_60 = arith.constant 0 : i32
      %dma_wait3A_61 = tpu.memref_slice %arg4[%add3A, %dma_wait3A_59, %dma_wait3A_60] : memref<32x125x80xi32, #tpu.memory_space<hbm>> -> memref<1x125x80xi32, #tpu.memory_space<hbm>>
      %dma_wait3A_62 = tpu.memref_squeeze %dma_wait3A_61 : memref<1x125x80xi32, #tpu.memory_space<hbm>> -> memref<125x80xi32, #tpu.memory_space<hbm>>
      %dma_wait3A_63 = arith.constant 0 : i32
      %dma_wait3A_64 = arith.constant 0 : i32
      %dma_wait3A_65 = tpu.memref_slice %arg4[%add3A, %dma_wait3A_63, %dma_wait3A_64] : memref<32x125x80xi32, #tpu.memory_space<hbm>> -> memref<1x125x80xi32, #tpu.memory_space<hbm>>
      %dma_wait3A_66 = tpu.memref_squeeze %dma_wait3A_65 : memref<1x125x80xi32, #tpu.memory_space<hbm>> -> memref<125x80xi32, #tpu.memory_space<hbm>>
      tpu.wait_dma2 semaphore(%run_scoped3A_50 : memref<!tpu.dma_semaphore, #tpu.memory_space<semaphore_mem>>) src(%dma_wait3A_66 : memref<125x80xi32, #tpu.memory_space<hbm>>) dst(%arg9 : memref<125x80xi32, #tpu.memory_space<vmem>>)
      tpu.yield
    }) : () -> ()
    %dma_start3A = arith.constant 0 : i32
    %dma_start3A_3 = tpu.memref_slice %arg8[%dma_start3A] : memref<10000xi32, #tpu.memory_space<vmem>> -> memref<80xi32, #tpu.memory_space<vmem>>
    %dma_start3A_4 = arith.constant 0 : i32
    %dma_start3A_5 = arith.constant 0 : i32
    %dma_start3A_6 = tpu.memref_slice %arg2[%dma_start3A_4, %dma_start3A_5] : memref<10000x128xf32, #tpu.memory_space<hbm>> -> memref<10000x128xf32, #tpu.memory_space<hbm>>
    tpu.enqueue_indirect_dma source(%dma_start3A_6 : memref<10000x128xf32, #tpu.memory_space<hbm>>) target(%arg10 : memref<80x128xf32, #tpu.memory_space<vmem>>) offsets(%dma_start3A_3 : memref<80xi32, #tpu.memory_space<vmem>>) semaphore(%arg14 : memref<!tpu.dma_semaphore, #tpu.memory_space<semaphore_mem>>)
    %dma_start3A_7 = arith.constant 80 : i32
    %dma_start3A_8 = tpu.memref_slice %arg8[%dma_start3A_7] : memref<10000xi32, #tpu.memory_space<vmem>> -> memref<80xi32, #tpu.memory_space<vmem>>
    %dma_start3A_9 = arith.constant 0 : i32
    %dma_start3A_10 = arith.constant 0 : i32
    %dma_start3A_11 = tpu.memref_slice %arg2[%dma_start3A_9, %dma_start3A_10] : memref<10000x128xf32, #tpu.memory_space<hbm>> -> memref<10000x128xf32, #tpu.memory_space<hbm>>
    tpu.enqueue_indirect_dma source(%dma_start3A_11 : memref<10000x128xf32, #tpu.memory_space<hbm>>) target(%arg11 : memref<80x128xf32, #tpu.memory_space<vmem>>) offsets(%dma_start3A_8 : memref<80xi32, #tpu.memory_space<vmem>>) semaphore(%arg15 : memref<!tpu.dma_semaphore, #tpu.memory_space<semaphore_mem>>)
    %scan3A = arith.constant 0 : i32
    %scan3A_12 = arith.constant 0 : i32
    %scan3A_13 = arith.constant 5 : i32
    %scan3A_14 = arith.addi %scan3A_12, %scan3A_13 : i32
    %scan3A_15 = arith.constant 1 : i32
    scf.for %scan3A_50 = %scan3A_12 to %scan3A_14 step %scan3A_15  : i32 {
      %broadcast_in_dim3A = arith.constant 1.000000e+00 : f32
      %broadcast_in_dim3A_51 = vector.broadcast %broadcast_in_dim3A : f32 to vector<16xf32>
      %mul3A_52 = arith.constant 16 : i32
      %mul3A_53 = arith.muli %scan3A_50, %mul3A_52 : i32
      %swap3A = arith.index_cast %mul3A_53 : i32 to index
      %swap3A_54 = tpu.vector_load %arg12[%swap3A] {strides = array<i32>} : memref<80xf32, #tpu.memory_space<vmem>>, vector<16xf32>,
      %swap3A_55 = vector.shape_cast %swap3A_54 : vector<16xf32> to vector<16xf32>
      %swap3A_56 = vector.shape_cast %broadcast_in_dim3A_51 : vector<16xf32> to vector<16xf32>
      tpu.vector_store %arg12[%swap3A], %swap3A_56 {strides = array<i32>} : memref<80xf32, #tpu.memory_space<vmem>>, vector<16xf32>,
    }
    %scan3A_16 = arith.constant 5 : i32
    %scan3A_17 = arith.constant 0 : i32
    %scan3A_18 = arith.constant 0 : i32
    %scan3A_19 = arith.constant 40 : i32
    %scan3A_20 = arith.addi %scan3A_18, %scan3A_19 : i32
    %scan3A_21 = arith.constant 1 : i32
    scf.for %scan3A_50 = %scan3A_18 to %scan3A_20 step %scan3A_21  : i32 {
      %broadcast_in_dim3A = arith.constant 0.000000e+00 : f32
      %broadcast_in_dim3A_51 = vector.broadcast %broadcast_in_dim3A : f32 to vector<16xf32>
      %mul3A_52 = arith.constant 16 : i32
      %mul3A_53 = arith.muli %scan3A_50, %mul3A_52 : i32
      %swap3A = arith.index_cast %mul3A_53 : i32 to index
      %swap3A_54 = tpu.vector_load %arg13[%swap3A] {strides = array<i32>} : memref<640xf32, #tpu.memory_space<vmem>>, vector<16xf32>,
      %swap3A_55 = vector.shape_cast %swap3A_54 : vector<16xf32> to vector<16xf32>
      %swap3A_56 = vector.shape_cast %broadcast_in_dim3A_51 : vector<16xf32> to vector<16xf32>
      tpu.vector_store %arg13[%swap3A], %swap3A_56 {strides = array<i32>} : memref<640xf32, #tpu.memory_space<vmem>>, vector<16xf32>,
    }
    %scan3A_22 = arith.constant 40 : i32
    %mul3A_23 = arith.constant 632 : i32
    %mul3A_24 = arith.muli %arg1, %mul3A_23 : i32
    %mul3A_25 = arith.constant 632 : i32
    %mul3A_26 = arith.muli %arg1, %mul3A_25 : i32
    "tpu.region"() ({
      %run_scoped3A_50 = tpu.sem_alloc : memref<!tpu.dma_semaphore, #tpu.memory_space<semaphore_mem>>
      %dma_start3A_51 = arith.constant 0 : i32
      %dma_start3A_52 = tpu.memref_slice %arg16[%mul3A_26, %dma_start3A_51] : memref<10112x128xf32, #tpu.memory_space<vmem_shared>> -> memref<632x128xf32, #tpu.memory_space<vmem_shared>>
      %dma_start3A_53 = arith.constant 0 : i32
      %dma_start3A_54 = tpu.memref_slice %arg5[%mul3A_24, %dma_start3A_53] : memref<10112x128xf32, #tpu.memory_space<hbm>> -> memref<632x128xf32, #tpu.memory_space<hbm>>
      tpu.enqueue_dma source(%dma_start3A_54 : memref<632x128xf32, #tpu.memory_space<hbm>>) target(%dma_start3A_52 : memref<632x128xf32, #tpu.memory_space<vmem_shared>>) target_semaphore(%run_scoped3A_50 : memref<!tpu.dma_semaphore, #tpu.memory_space<semaphore_mem>>)
      %dma_wait3A_55 = arith.constant 0 : i32
      %dma_wait3A_56 = tpu.memref_slice %arg16[%mul3A_26, %dma_wait3A_55] : memref<10112x128xf32, #tpu.memory_space<vmem_shared>> -> memref<632x128xf32, #tpu.memory_space<vmem_shared>>
      %dma_wait3A_57 = arith.constant 0 : i32
      %dma_wait3A_58 = tpu.memref_slice %arg5[%mul3A_24, %dma_wait3A_57] : memref<10112x128xf32, #tpu.memory_space<hbm>> -> memref<632x128xf32, #tpu.memory_space<hbm>>
      tpu.wait_dma2 semaphore(%run_scoped3A_50 : memref<!tpu.dma_semaphore, #tpu.memory_space<semaphore_mem>>) src(%dma_wait3A_58 : memref<632x128xf32, #tpu.memory_space<hbm>>) dst(%dma_wait3A_56 : memref<632x128xf32, #tpu.memory_space<vmem_shared>>)
      tpu.yield
    }) : () -> ()
    %mul3A_27 = arith.constant 632 : i32
    %mul3A_28 = arith.muli %arg1, %mul3A_27 : i32
    "tpu.region"() ({
      %run_scoped3A_50 = tpu.sem_alloc : memref<!tpu.dma_semaphore, #tpu.memory_space<semaphore_mem>>
      %dma_start3A_51 = arith.constant 0 : i32
      %dma_start3A_52 = tpu.memref_slice %arg13[%dma_start3A_51] : memref<640xf32, #tpu.memory_space<vmem>> -> memref<632xf32, #tpu.memory_space<vmem>>
      %dma_start3A_53 = tpu.memref_slice %arg17[%mul3A_28] : memref<10112xf32, #tpu.memory_space<vmem_shared>> -> memref<632xf32, #tpu.memory_space<vmem_shared>>
      %dma_start3A_54 = tpu.memref_slice %arg17[%mul3A_28] : memref<10112xf32, #tpu.memory_space<vmem_shared>> -> memref<632xf32, #tpu.memory_space<vmem_shared>>
      %dma_start3A_55 = arith.constant 0 : i32
      %dma_start3A_56 = tpu.memref_slice %arg13[%dma_start3A_55] : memref<640xf32, #tpu.memory_space<vmem>> -> memref<632xf32, #tpu.memory_space<vmem>>
      tpu.enqueue_dma source(%dma_start3A_56 : memref<632xf32, #tpu.memory_space<vmem>>) target(%dma_start3A_54 : memref<632xf32, #tpu.memory_space<vmem_shared>>) target_semaphore(%run_scoped3A_50 : memref<!tpu.dma_semaphore, #tpu.memory_space<semaphore_mem>>)
      %dma_wait3A_57 = arith.constant 0 : i32
      %dma_wait3A_58 = tpu.memref_slice %arg13[%dma_wait3A_57] : memref<640xf32, #tpu.memory_space<vmem>> -> memref<632xf32, #tpu.memory_space<vmem>>
      %dma_wait3A_59 = tpu.memref_slice %arg17[%mul3A_28] : memref<10112xf32, #tpu.memory_space<vmem_shared>> -> memref<632xf32, #tpu.memory_space<vmem_shared>>
      %dma_wait3A_60 = tpu.memref_slice %arg17[%mul3A_28] : memref<10112xf32, #tpu.memory_space<vmem_shared>> -> memref<632xf32, #tpu.memory_space<vmem_shared>>
      %dma_wait3A_61 = arith.constant 0 : i32
      %dma_wait3A_62 = tpu.memref_slice %arg13[%dma_wait3A_61] : memref<640xf32, #tpu.memory_space<vmem>> -> memref<632xf32, #tpu.memory_space<vmem>>
      tpu.wait_dma2 semaphore(%run_scoped3A_50 : memref<!tpu.dma_semaphore, #tpu.memory_space<semaphore_mem>>) src(%dma_wait3A_62 : memref<632xf32, #tpu.memory_space<vmem>>) dst(%dma_wait3A_60 : memref<632xf32, #tpu.memory_space<vmem_shared>>)
      tpu.yield
    }) : () -> ()
    %barrier3A = arith.constant 0 : index
    tpu.barrier barrier_id(%barrier3A)
    %scan3A_29 = arith.constant 0 : i32
    %scan3A_30 = arith.constant 0 : i32
    %scan3A_31 = arith.constant 62 : i32
    %scan3A_32 = arith.addi %scan3A_30, %scan3A_31 : i32
    %scan3A_33 = arith.constant 1 : i32
    scf.for %scan3A_50 = %scan3A_30 to %scan3A_32 step %scan3A_33  : i32 {
      %mul3A_51 = arith.constant 2 : i32
      %mul3A_52 = arith.muli %mul3A_51, %scan3A_50 : i32
      %add3A_53 = arith.constant 1 : i32
      %add3A_54 = arith.addi %mul3A_52, %add3A_53 : i32
      %mul3A_55 = arith.constant 80 : i32
      %mul3A_56 = arith.muli %mul3A_52, %mul3A_55 : i32
      %dma_wait3A_57 = tpu.memref_slice %arg8[%mul3A_56] : memref<10000xi32, #tpu.memory_space<vmem>> -> memref<80xi32, #tpu.memory_space<vmem>>
      %dma_wait3A_58 = arith.constant 0 : i32
      %dma_wait3A_59 = arith.constant 0 : i32
      %dma_wait3A_60 = tpu.memref_slice %arg2[%dma_wait3A_58, %dma_wait3A_59] : memref<10000x128xf32, #tpu.memory_space<hbm>> -> memref<10000x128xf32, #tpu.memory_space<hbm>>
      tpu.wait_indirect_dma semaphore(%arg14 : memref<!tpu.dma_semaphore, #tpu.memory_space<semaphore_mem>>) src(%dma_wait3A_60 : memref<10000x128xf32, #tpu.memory_space<hbm>>) dst(%arg10 : memref<80x128xf32, #tpu.memory_space<vmem>>)
      "tpu.region"() ({
        %run_scoped3A_79 = tpu.sem_alloc : memref<!tpu.dma_semaphore, #tpu.memory_space<semaphore_mem>>
        %dma_start3A_80 = arith.constant 0 : i32
        %dma_start3A_81 = tpu.memref_slice %arg9[%mul3A_52, %dma_start3A_80] : memref<125x80xi32, #tpu.memory_space<vmem>> -> memref<1x80xi32, #tpu.memory_space<vmem>>
        %dma_start3A_82 = tpu.memref_squeeze %dma_start3A_81 : memref<1x80xi32, #tpu.memory_space<vmem>> -> memref<80xi32, #tpu.memory_space<vmem>>
        %dma_start3A_83 = arith.constant 0 : i32
        %dma_start3A_84 = arith.constant 0 : i32
        %dma_start3A_85 = tpu.memref_slice %arg16[%dma_start3A_83, %dma_start3A_84] : memref<10112x128xf32, #tpu.memory_space<vmem_shared>> -> memref<10112x128xf32, #tpu.memory_space<vmem_shared>>
        tpu.enqueue_indirect_dma source(%arg10 : memref<80x128xf32, #tpu.memory_space<vmem>>) target(%dma_start3A_85 : memref<10112x128xf32, #tpu.memory_space<vmem_shared>>) offsets(%dma_start3A_82 : memref<80xi32, #tpu.memory_space<vmem>>) semaphore(%run_scoped3A_79 : memref<!tpu.dma_semaphore, #tpu.memory_space<semaphore_mem>>) {add = true}
        %dma_wait3A_86 = arith.constant 0 : i32
        %dma_wait3A_87 = tpu.memref_slice %arg9[%mul3A_52, %dma_wait3A_86] : memref<125x80xi32, #tpu.memory_space<vmem>> -> memref<1x80xi32, #tpu.memory_space<vmem>>
        %dma_wait3A_88 = tpu.memref_squeeze %dma_wait3A_87 : memref<1x80xi32, #tpu.memory_space<vmem>> -> memref<80xi32, #tpu.memory_space<vmem>>
        %dma_wait3A_89 = arith.constant 0 : i32
        %dma_wait3A_90 = arith.constant 0 : i32
        %dma_wait3A_91 = tpu.memref_slice %arg16[%dma_wait3A_89, %dma_wait3A_90] : memref<10112x128xf32, #tpu.memory_space<vmem_shared>> -> memref<10112x128xf32, #tpu.memory_space<vmem_shared>>
        tpu.wait_indirect_dma semaphore(%run_scoped3A_79 : memref<!tpu.dma_semaphore, #tpu.memory_space<semaphore_mem>>) src(%arg10 : memref<80x128xf32, #tpu.memory_space<vmem>>) dst(%dma_wait3A_91 : memref<10112x128xf32, #tpu.memory_space<vmem_shared>>)
        tpu.yield
      }) : () -> ()
      %add3A_61 = arith.constant 2 : i32
      %add3A_62 = arith.addi %mul3A_52, %add3A_61 : i32
      %mul3A_63 = arith.constant 80 : i32
      %mul3A_64 = arith.muli %add3A_62, %mul3A_63 : i32
      %dma_start3A_65 = tpu.memref_slice %arg8[%mul3A_64] : memref<10000xi32, #tpu.memory_space<vmem>> -> memref<80xi32, #tpu.memory_space<vmem>>
      %dma_start3A_66 = arith.constant 0 : i32
      %dma_start3A_67 = arith.constant 0 : i32
      %dma_start3A_68 = tpu.memref_slice %arg2[%dma_start3A_66, %dma_start3A_67] : memref<10000x128xf32, #tpu.memory_space<hbm>> -> memref<10000x128xf32, #tpu.memory_space<hbm>>
      tpu.enqueue_indirect_dma source(%dma_start3A_68 : memref<10000x128xf32, #tpu.memory_space<hbm>>) target(%arg10 : memref<80x128xf32, #tpu.memory_space<vmem>>) offsets(%dma_start3A_65 : memref<80xi32, #tpu.memory_space<vmem>>) semaphore(%arg14 : memref<!tpu.dma_semaphore, #tpu.memory_space<semaphore_mem>>)
      "tpu.region"() ({
        %run_scoped3A_79 = tpu.sem_alloc : memref<!tpu.dma_semaphore, #tpu.memory_space<semaphore_mem>>
        %dma_start3A_80 = arith.constant 0 : i32
        %dma_start3A_81 = tpu.memref_slice %arg9[%mul3A_52, %dma_start3A_80] : memref<125x80xi32, #tpu.memory_space<vmem>> -> memref<1x80xi32, #tpu.memory_space<vmem>>
        %dma_start3A_82 = tpu.memref_squeeze %dma_start3A_81 : memref<1x80xi32, #tpu.memory_space<vmem>> -> memref<80xi32, #tpu.memory_space<vmem>>
        %dma_start3A_83 = arith.constant 0 : i32
        %dma_start3A_84 = tpu.memref_slice %arg17[%dma_start3A_83] : memref<10112xf32, #tpu.memory_space<vmem_shared>> -> memref<10112xf32, #tpu.memory_space<vmem_shared>>
        tpu.enqueue_indirect_dma source(%arg12 : memref<80xf32, #tpu.memory_space<vmem>>) target(%dma_start3A_84 : memref<10112xf32, #tpu.memory_space<vmem_shared>>) offsets(%dma_start3A_82 : memref<80xi32, #tpu.memory_space<vmem>>) semaphore(%run_scoped3A_79 : memref<!tpu.dma_semaphore, #tpu.memory_space<semaphore_mem>>) {add = true}
        %dma_wait3A_85 = arith.constant 0 : i32
        %dma_wait3A_86 = tpu.memref_slice %arg9[%mul3A_52, %dma_wait3A_85] : memref<125x80xi32, #tpu.memory_space<vmem>> -> memref<1x80xi32, #tpu.memory_space<vmem>>
        %dma_wait3A_87 = tpu.memref_squeeze %dma_wait3A_86 : memref<1x80xi32, #tpu.memory_space<vmem>> -> memref<80xi32, #tpu.memory_space<vmem>>
        %dma_wait3A_88 = arith.constant 0 : i32
        %dma_wait3A_89 = tpu.memref_slice %arg17[%dma_wait3A_88] : memref<10112xf32, #tpu.memory_space<vmem_shared>> -> memref<10112xf32, #tpu.memory_space<vmem_shared>>
        tpu.wait_indirect_dma semaphore(%run_scoped3A_79 : memref<!tpu.dma_semaphore, #tpu.memory_space<semaphore_mem>>) src(%arg12 : memref<80xf32, #tpu.memory_space<vmem>>) dst(%dma_wait3A_89 : memref<10112xf32, #tpu.memory_space<vmem_shared>>)
        tpu.yield
      }) : () -> ()
      %mul3A_69 = arith.constant 80 : i32
      %mul3A_70 = arith.muli %add3A_54, %mul3A_69 : i32
      %dma_wait3A_71 = tpu.memref_slice %arg8[%mul3A_70] : memref<10000xi32, #tpu.memory_space<vmem>> -> memref<80xi32, #tpu.memory_space<vmem>>
      %dma_wait3A_72 = arith.constant 0 : i32
      %dma_wait3A_73 = arith.constant 0 : i32
      %dma_wait3A_74 = tpu.memref_slice %arg2[%dma_wait3A_72, %dma_wait3A_73] : memref<10000x128xf32, #tpu.memory_space<hbm>> -> memref<10000x128xf32, #tpu.memory_space<hbm>>
      tpu.wait_indirect_dma semaphore(%arg15 : memref<!tpu.dma_semaphore, #tpu.memory_space<semaphore_mem>>) src(%dma_wait3A_74 : memref<10000x128xf32, #tpu.memory_space<hbm>>) dst(%arg11 : memref<80x128xf32, #tpu.memory_space<vmem>>)
      "tpu.region"() ({
        %run_scoped3A_79 = tpu.sem_alloc : memref<!tpu.dma_semaphore, #tpu.memory_space<semaphore_mem>>
        %dma_start3A_80 = arith.constant 0 : i32
        %dma_start3A_81 = tpu.memref_slice %arg9[%add3A_54, %dma_start3A_80] : memref<125x80xi32, #tpu.memory_space<vmem>> -> memref<1x80xi32, #tpu.memory_space<vmem>>
        %dma_start3A_82 = tpu.memref_squeeze %dma_start3A_81 : memref<1x80xi32, #tpu.memory_space<vmem>> -> memref<80xi32, #tpu.memory_space<vmem>>
        %dma_start3A_83 = arith.constant 0 : i32
        %dma_start3A_84 = arith.constant 0 : i32
        %dma_start3A_85 = tpu.memref_slice %arg16[%dma_start3A_83, %dma_start3A_84] : memref<10112x128xf32, #tpu.memory_space<vmem_shared>> -> memref<10112x128xf32, #tpu.memory_space<vmem_shared>>
        tpu.enqueue_indirect_dma source(%arg11 : memref<80x128xf32, #tpu.memory_space<vmem>>) target(%dma_start3A_85 : memref<10112x128xf32, #tpu.memory_space<vmem_shared>>) offsets(%dma_start3A_82 : memref<80xi32, #tpu.memory_space<vmem>>) semaphore(%run_scoped3A_79 : memref<!tpu.dma_semaphore, #tpu.memory_space<semaphore_mem>>) {add = true}
        %dma_wait3A_86 = arith.constant 0 : i32
        %dma_wait3A_87 = tpu.memref_slice %arg9[%add3A_54, %dma_wait3A_86] : memref<125x80xi32, #tpu.memory_space<vmem>> -> memref<1x80xi32, #tpu.memory_space<vmem>>
        %dma_wait3A_88 = tpu.memref_squeeze %dma_wait3A_87 : memref<1x80xi32, #tpu.memory_space<vmem>> -> memref<80xi32, #tpu.memory_space<vmem>>
        %dma_wait3A_89 = arith.constant 0 : i32
        %dma_wait3A_90 = arith.constant 0 : i32
        %dma_wait3A_91 = tpu.memref_slice %arg16[%dma_wait3A_89, %dma_wait3A_90] : memref<10112x128xf32, #tpu.memory_space<vmem_shared>> -> memref<10112x128xf32, #tpu.memory_space<vmem_shared>>
        tpu.wait_indirect_dma semaphore(%run_scoped3A_79 : memref<!tpu.dma_semaphore, #tpu.memory_space<semaphore_mem>>) src(%arg11 : memref<80x128xf32, #tpu.memory_space<vmem>>) dst(%dma_wait3A_91 : memref<10112x128xf32, #tpu.memory_space<vmem_shared>>)
        tpu.yield
      }) : () -> ()
      %add3A_75 = arith.constant 2 : i32
      %add3A_76 = arith.addi %add3A_54, %add3A_75 : i32
      %lt3A = arith.constant 125 : i32
      %lt3A_77 = arith.cmpi slt, %add3A_76, %lt3A : i32
      %convert_element_type3A = arith.extui %lt3A_77 : i1 to i32
      %cond3A = arith.constant 0 : i32
      %cond3A_78 = arith.cmpi ne, %convert_element_type3A, %cond3A : i32
      scf.if %cond3A_78 {
        %add3A_79 = arith.constant 2 : i32
        %add3A_80 = arith.addi %add3A_54, %add3A_79 : i32
        %mul3A_81 = arith.constant 80 : i32
        %mul3A_82 = arith.muli %add3A_80, %mul3A_81 : i32
        %dma_start3A_83 = tpu.memref_slice %arg8[%mul3A_82] : memref<10000xi32, #tpu.memory_space<vmem>> -> memref<80xi32, #tpu.memory_space<vmem>>
        %dma_start3A_84 = arith.constant 0 : i32
        %dma_start3A_85 = arith.constant 0 : i32
        %dma_start3A_86 = tpu.memref_slice %arg2[%dma_start3A_84, %dma_start3A_85] : memref<10000x128xf32, #tpu.memory_space<hbm>> -> memref<10000x128xf32, #tpu.memory_space<hbm>>
        tpu.enqueue_indirect_dma source(%dma_start3A_86 : memref<10000x128xf32, #tpu.memory_space<hbm>>) target(%arg11 : memref<80x128xf32, #tpu.memory_space<vmem>>) offsets(%dma_start3A_83 : memref<80xi32, #tpu.memory_space<vmem>>) semaphore(%arg15 : memref<!tpu.dma_semaphore, #tpu.memory_space<semaphore_mem>>)
      } else {
      }
      "tpu.region"() ({
        %run_scoped3A_79 = tpu.sem_alloc : memref<!tpu.dma_semaphore, #tpu.memory_space<semaphore_mem>>
        %dma_start3A_80 = arith.constant 0 : i32
        %dma_start3A_81 = tpu.memref_slice %arg9[%add3A_54, %dma_start3A_80] : memref<125x80xi32, #tpu.memory_space<vmem>> -> memref<1x80xi32, #tpu.memory_space<vmem>>
        %dma_start3A_82 = tpu.memref_squeeze %dma_start3A_81 : memref<1x80xi32, #tpu.memory_space<vmem>> -> memref<80xi32, #tpu.memory_space<vmem>>
        %dma_start3A_83 = arith.constant 0 : i32
        %dma_start3A_84 = tpu.memref_slice %arg17[%dma_start3A_83] : memref<10112xf32, #tpu.memory_space<vmem_shared>> -> memref<10112xf32, #tpu.memory_space<vmem_shared>>
        tpu.enqueue_indirect_dma source(%arg12 : memref<80xf32, #tpu.memory_space<vmem>>) target(%dma_start3A_84 : memref<10112xf32, #tpu.memory_space<vmem_shared>>) offsets(%dma_start3A_82 : memref<80xi32, #tpu.memory_space<vmem>>) semaphore(%run_scoped3A_79 : memref<!tpu.dma_semaphore, #tpu.memory_space<semaphore_mem>>) {add = true}
        %dma_wait3A_85 = arith.constant 0 : i32
        %dma_wait3A_86 = tpu.memref_slice %arg9[%add3A_54, %dma_wait3A_85] : memref<125x80xi32, #tpu.memory_space<vmem>> -> memref<1x80xi32, #tpu.memory_space<vmem>>
        %dma_wait3A_87 = tpu.memref_squeeze %dma_wait3A_86 : memref<1x80xi32, #tpu.memory_space<vmem>> -> memref<80xi32, #tpu.memory_space<vmem>>
        %dma_wait3A_88 = arith.constant 0 : i32
        %dma_wait3A_89 = tpu.memref_slice %arg17[%dma_wait3A_88] : memref<10112xf32, #tpu.memory_space<vmem_shared>> -> memref<10112xf32, #tpu.memory_space<vmem_shared>>
        tpu.wait_indirect_dma semaphore(%run_scoped3A_79 : memref<!tpu.dma_semaphore, #tpu.memory_space<semaphore_mem>>) src(%arg12 : memref<80xf32, #tpu.memory_space<vmem>>) dst(%dma_wait3A_89 : memref<10112xf32, #tpu.memory_space<vmem_shared>>)
        tpu.yield
      }) : () -> ()
    }
    %scan3A_34 = arith.constant 62 : i32
    %dma_wait3A = arith.constant 9920 : i32
    %dma_wait3A_35 = tpu.memref_slice %arg8[%dma_wait3A] : memref<10000xi32, #tpu.memory_space<vmem>> -> memref<80xi32, #tpu.memory_space<vmem>>
    %dma_wait3A_36 = arith.constant 0 : i32
    %dma_wait3A_37 = arith.constant 0 : i32
    %dma_wait3A_38 = tpu.memref_slice %arg2[%dma_wait3A_36, %dma_wait3A_37] : memref<10000x128xf32, #tpu.memory_space<hbm>> -> memref<10000x128xf32, #tpu.memory_space<hbm>>
    tpu.wait_indirect_dma semaphore(%arg14 : memref<!tpu.dma_semaphore, #tpu.memory_space<semaphore_mem>>) src(%dma_wait3A_38 : memref<10000x128xf32, #tpu.memory_space<hbm>>) dst(%arg10 : memref<80x128xf32, #tpu.memory_space<vmem>>)
    %run_scoped3A = arith.constant 124 : i32
    "tpu.region"() ({
      %run_scoped3A_50 = tpu.sem_alloc : memref<!tpu.dma_semaphore, #tpu.memory_space<semaphore_mem>>
      %dma_start3A_51 = arith.constant 0 : i32
      %dma_start3A_52 = tpu.memref_slice %arg9[%run_scoped3A, %dma_start3A_51] : memref<125x80xi32, #tpu.memory_space<vmem>> -> memref<1x80xi32, #tpu.memory_space<vmem>>
      %dma_start3A_53 = tpu.memref_squeeze %dma_start3A_52 : memref<1x80xi32, #tpu.memory_space<vmem>> -> memref<80xi32, #tpu.memory_space<vmem>>
      %dma_start3A_54 = arith.constant 0 : i32
      %dma_start3A_55 = arith.constant 0 : i32
      %dma_start3A_56 = tpu.memref_slice %arg16[%dma_start3A_54, %dma_start3A_55] : memref<10112x128xf32, #tpu.memory_space<vmem_shared>> -> memref<10112x128xf32, #tpu.memory_space<vmem_shared>>
      tpu.enqueue_indirect_dma source(%arg10 : memref<80x128xf32, #tpu.memory_space<vmem>>) target(%dma_start3A_56 : memref<10112x128xf32, #tpu.memory_space<vmem_shared>>) offsets(%dma_start3A_53 : memref<80xi32, #tpu.memory_space<vmem>>) semaphore(%run_scoped3A_50 : memref<!tpu.dma_semaphore, #tpu.memory_space<semaphore_mem>>) {add = true}
      %dma_wait3A_57 = arith.constant 0 : i32
      %dma_wait3A_58 = tpu.memref_slice %arg9[%run_scoped3A, %dma_wait3A_57] : memref<125x80xi32, #tpu.memory_space<vmem>> -> memref<1x80xi32, #tpu.memory_space<vmem>>
      %dma_wait3A_59 = tpu.memref_squeeze %dma_wait3A_58 : memref<1x80xi32, #tpu.memory_space<vmem>> -> memref<80xi32, #tpu.memory_space<vmem>>
      %dma_wait3A_60 = arith.constant 0 : i32
      %dma_wait3A_61 = arith.constant 0 : i32
      %dma_wait3A_62 = tpu.memref_slice %arg16[%dma_wait3A_60, %dma_wait3A_61] : memref<10112x128xf32, #tpu.memory_space<vmem_shared>> -> memref<10112x128xf32, #tpu.memory_space<vmem_shared>>
      tpu.wait_indirect_dma semaphore(%run_scoped3A_50 : memref<!tpu.dma_semaphore, #tpu.memory_space<semaphore_mem>>) src(%arg10 : memref<80x128xf32, #tpu.memory_space<vmem>>) dst(%dma_wait3A_62 : memref<10112x128xf32, #tpu.memory_space<vmem_shared>>)
      tpu.yield
    }) : () -> ()
    %run_scoped3A_39 = arith.constant 124 : i32
    "tpu.region"() ({
      %run_scoped3A_50 = tpu.sem_alloc : memref<!tpu.dma_semaphore, #tpu.memory_space<semaphore_mem>>
      %dma_start3A_51 = arith.constant 0 : i32
      %dma_start3A_52 = tpu.memref_slice %arg9[%run_scoped3A_39, %dma_start3A_51] : memref<125x80xi32, #tpu.memory_space<vmem>> -> memref<1x80xi32, #tpu.memory_space<vmem>>
      %dma_start3A_53 = tpu.memref_squeeze %dma_start3A_52 : memref<1x80xi32, #tpu.memory_space<vmem>> -> memref<80xi32, #tpu.memory_space<vmem>>
      %dma_start3A_54 = arith.constant 0 : i32
      %dma_start3A_55 = tpu.memref_slice %arg17[%dma_start3A_54] : memref<10112xf32, #tpu.memory_space<vmem_shared>> -> memref<10112xf32, #tpu.memory_space<vmem_shared>>
      tpu.enqueue_indirect_dma source(%arg12 : memref<80xf32, #tpu.memory_space<vmem>>) target(%dma_start3A_55 : memref<10112xf32, #tpu.memory_space<vmem_shared>>) offsets(%dma_start3A_53 : memref<80xi32, #tpu.memory_space<vmem>>) semaphore(%run_scoped3A_50 : memref<!tpu.dma_semaphore, #tpu.memory_space<semaphore_mem>>) {add = true}
      %dma_wait3A_56 = arith.constant 0 : i32
      %dma_wait3A_57 = tpu.memref_slice %arg9[%run_scoped3A_39, %dma_wait3A_56] : memref<125x80xi32, #tpu.memory_space<vmem>> -> memref<1x80xi32, #tpu.memory_space<vmem>>
      %dma_wait3A_58 = tpu.memref_squeeze %dma_wait3A_57 : memref<1x80xi32, #tpu.memory_space<vmem>> -> memref<80xi32, #tpu.memory_space<vmem>>
      %dma_wait3A_59 = arith.constant 0 : i32
      %dma_wait3A_60 = tpu.memref_slice %arg17[%dma_wait3A_59] : memref<10112xf32, #tpu.memory_space<vmem_shared>> -> memref<10112xf32, #tpu.memory_space<vmem_shared>>
      tpu.wait_indirect_dma semaphore(%run_scoped3A_50 : memref<!tpu.dma_semaphore, #tpu.memory_space<semaphore_mem>>) src(%arg12 : memref<80xf32, #tpu.memory_space<vmem>>) dst(%dma_wait3A_60 : memref<10112xf32, #tpu.memory_space<vmem_shared>>)
      tpu.yield
    }) : () -> ()
    %barrier3A_40 = arith.constant 0 : index
    tpu.barrier barrier_id(%barrier3A_40)
    %mul3A_41 = arith.constant 632 : i32
    %mul3A_42 = arith.muli %arg1, %mul3A_41 : i32
    %mul3A_43 = arith.constant 632 : i32
    %mul3A_44 = arith.muli %arg1, %mul3A_43 : i32
    "tpu.region"() ({
      %run_scoped3A_50 = tpu.sem_alloc : memref<!tpu.dma_semaphore, #tpu.memory_space<semaphore_mem>>
      %dma_start3A_51 = arith.constant 0 : i32
      %dma_start3A_52 = arith.constant 0 : i32
      %dma_start3A_53 = tpu.memref_slice %arg6[%arg0, %dma_start3A_51, %dma_start3A_52] : memref<2x10112x128xf32, #tpu.memory_space<hbm>> -> memref<1x10112x128xf32, #tpu.memory_space<hbm>>
      %dma_start3A_54 = tpu.memref_squeeze %dma_start3A_53 : memref<1x10112x128xf32, #tpu.memory_space<hbm>> -> memref<10112x128xf32, #tpu.memory_space<hbm>>
      %dma_start3A_55 = arith.constant 0 : i32
      %dma_start3A_56 = tpu.memref_slice %dma_start3A_54[%mul3A_44, %dma_start3A_55] : memref<10112x128xf32, #tpu.memory_space<hbm>> -> memref<632x128xf32, #tpu.memory_space<hbm>>
      %dma_start3A_57 = arith.constant 0 : i32
      %dma_start3A_58 = tpu.memref_slice %arg16[%mul3A_42, %dma_start3A_57] : memref<10112x128xf32, #tpu.memory_space<vmem_shared>> -> memref<632x128xf32, #tpu.memory_space<vmem_shared>>
      tpu.enqueue_dma source(%dma_start3A_58 : memref<632x128xf32, #tpu.memory_space<vmem_shared>>) target(%dma_start3A_56 : memref<632x128xf32, #tpu.memory_space<hbm>>) target_semaphore(%run_scoped3A_50 : memref<!tpu.dma_semaphore, #tpu.memory_space<semaphore_mem>>)
      %dma_wait3A_59 = arith.constant 0 : i32
      %dma_wait3A_60 = arith.constant 0 : i32
      %dma_wait3A_61 = tpu.memref_slice %arg6[%arg0, %dma_wait3A_59, %dma_wait3A_60] : memref<2x10112x128xf32, #tpu.memory_space<hbm>> -> memref<1x10112x128xf32, #tpu.memory_space<hbm>>
      %dma_wait3A_62 = tpu.memref_squeeze %dma_wait3A_61 : memref<1x10112x128xf32, #tpu.memory_space<hbm>> -> memref<10112x128xf32, #tpu.memory_space<hbm>>
      %dma_wait3A_63 = arith.constant 0 : i32
      %dma_wait3A_64 = tpu.memref_slice %dma_wait3A_62[%mul3A_44, %dma_wait3A_63] : memref<10112x128xf32, #tpu.memory_space<hbm>> -> memref<632x128xf32, #tpu.memory_space<hbm>>
      %dma_wait3A_65 = arith.constant 0 : i32
      %dma_wait3A_66 = tpu.memref_slice %arg16[%mul3A_42, %dma_wait3A_65] : memref<10112x128xf32, #tpu.memory_space<vmem_shared>> -> memref<632x128xf32, #tpu.memory_space<vmem_shared>>
      tpu.wait_dma2 semaphore(%run_scoped3A_50 : memref<!tpu.dma_semaphore, #tpu.memory_space<semaphore_mem>>) src(%dma_wait3A_66 : memref<632x128xf32, #tpu.memory_space<vmem_shared>>) dst(%dma_wait3A_64 : memref<632x128xf32, #tpu.memory_space<hbm>>)
      tpu.yield
    }) : () -> ()
    %mul3A_45 = arith.constant 632 : i32
    %mul3A_46 = arith.muli %arg1, %mul3A_45 : i32
    "tpu.region"() ({
      %run_scoped3A_50 = tpu.sem_alloc : memref<!tpu.dma_semaphore, #tpu.memory_space<semaphore_mem>>
      %dma_start3A_51 = arith.constant 0 : i32
      %dma_start3A_52 = tpu.memref_slice %arg13[%dma_start3A_51] : memref<640xf32, #tpu.memory_space<vmem>> -> memref<632xf32, #tpu.memory_space<vmem>>
      %dma_start3A_53 = tpu.memref_slice %arg17[%mul3A_46] : memref<10112xf32, #tpu.memory_space<vmem_shared>> -> memref<632xf32, #tpu.memory_space<vmem_shared>>
      %dma_start3A_54 = arith.constant 0 : i32
      %dma_start3A_55 = tpu.memref_slice %arg13[%dma_start3A_54] : memref<640xf32, #tpu.memory_space<vmem>> -> memref<632xf32, #tpu.memory_space<vmem>>
      %dma_start3A_56 = tpu.memref_slice %arg17[%mul3A_46] : memref<10112xf32, #tpu.memory_space<vmem_shared>> -> memref<632xf32, #tpu.memory_space<vmem_shared>>
      tpu.enqueue_dma source(%dma_start3A_56 : memref<632xf32, #tpu.memory_space<vmem_shared>>) target(%dma_start3A_55 : memref<632xf32, #tpu.memory_space<vmem>>) target_semaphore(%run_scoped3A_50 : memref<!tpu.dma_semaphore, #tpu.memory_space<semaphore_mem>>)
      %dma_wait3A_57 = arith.constant 0 : i32
      %dma_wait3A_58 = tpu.memref_slice %arg13[%dma_wait3A_57] : memref<640xf32, #tpu.memory_space<vmem>> -> memref<632xf32, #tpu.memory_space<vmem>>
      %dma_wait3A_59 = tpu.memref_slice %arg17[%mul3A_46] : memref<10112xf32, #tpu.memory_space<vmem_shared>> -> memref<632xf32, #tpu.memory_space<vmem_shared>>
      %dma_wait3A_60 = arith.constant 0 : i32
      %dma_wait3A_61 = tpu.memref_slice %arg13[%dma_wait3A_60] : memref<640xf32, #tpu.memory_space<vmem>> -> memref<632xf32, #tpu.memory_space<vmem>>
      %dma_wait3A_62 = tpu.memref_slice %arg17[%mul3A_46] : memref<10112xf32, #tpu.memory_space<vmem_shared>> -> memref<632xf32, #tpu.memory_space<vmem_shared>>
      tpu.wait_dma2 semaphore(%run_scoped3A_50 : memref<!tpu.dma_semaphore, #tpu.memory_space<semaphore_mem>>) src(%dma_wait3A_62 : memref<632xf32, #tpu.memory_space<vmem_shared>>) dst(%dma_wait3A_61 : memref<632xf32, #tpu.memory_space<vmem>>)
      tpu.yield
    }) : () -> ()
    %mul3A_47 = arith.constant 632 : i32
    %mul3A_48 = arith.muli %arg1, %mul3A_47 : i32
    %run_scoped3A_49 = arith.constant 0 : i32
    "tpu.region"() ({
      %run_scoped3A_50 = tpu.sem_alloc : memref<!tpu.dma_semaphore, #tpu.memory_space<semaphore_mem>>
      %dma_start3A_51 = arith.constant 0 : i32
      %dma_start3A_52 = tpu.memref_slice %arg13[%dma_start3A_51] : memref<640xf32, #tpu.memory_space<vmem>> -> memref<632xf32, #tpu.memory_space<vmem>>
      %dma_start3A_53 = arith.constant 0 : i32
      %dma_start3A_54 = arith.constant 0 : i32
      %dma_start3A_55 = tpu.memref_slice %arg7[%arg0, %dma_start3A_53, %dma_start3A_54] : memref<2x1x10112xf32, #tpu.memory_space<hbm>> -> memref<1x1x10112xf32, #tpu.memory_space<hbm>>
      %dma_start3A_56 = tpu.memref_squeeze %dma_start3A_55 : memref<1x1x10112xf32, #tpu.memory_space<hbm>> -> memref<1x10112xf32, #tpu.memory_space<hbm>>
      %dma_start3A_57 = arith.constant 0 : i32
      %dma_start3A_58 = tpu.memref_slice %dma_start3A_56[%run_scoped3A_49, %dma_start3A_57] : memref<1x10112xf32, #tpu.memory_space<hbm>> -> memref<1x10112xf32, #tpu.memory_space<hbm>>
      %dma_start3A_59 = tpu.memref_squeeze %dma_start3A_58 : memref<1x10112xf32, #tpu.memory_space<hbm>> -> memref<10112xf32, #tpu.memory_space<hbm>>
      %dma_start3A_60 = tpu.memref_slice %dma_start3A_59[%mul3A_48] : memref<10112xf32, #tpu.memory_space<hbm>> -> memref<632xf32, #tpu.memory_space<hbm>>
      %dma_start3A_61 = arith.constant 0 : i32
      %dma_start3A_62 = arith.constant 0 : i32
      %dma_start3A_63 = tpu.memref_slice %arg7[%arg0, %dma_start3A_61, %dma_start3A_62] : memref<2x1x10112xf32, #tpu.memory_space<hbm>> -> memref<1x1x10112xf32, #tpu.memory_space<hbm>>
      %dma_start3A_64 = tpu.memref_squeeze %dma_start3A_63 : memref<1x1x10112xf32, #tpu.memory_space<hbm>> -> memref<1x10112xf32, #tpu.memory_space<hbm>>
      %dma_start3A_65 = arith.constant 0 : i32
      %dma_start3A_66 = tpu.memref_slice %dma_start3A_64[%run_scoped3A_49, %dma_start3A_65] : memref<1x10112xf32, #tpu.memory_space<hbm>> -> memref<1x10112xf32, #tpu.memory_space<hbm>>
      %dma_start3A_67 = tpu.memref_squeeze %dma_start3A_66 : memref<1x10112xf32, #tpu.memory_space<hbm>> -> memref<10112xf32, #tpu.memory_space<hbm>>
      %dma_start3A_68 = tpu.memref_slice %dma_start3A_67[%mul3A_48] : memref<10112xf32, #tpu.memory_space<hbm>> -> memref<632xf32, #tpu.memory_space<hbm>>
      %dma_start3A_69 = arith.constant 0 : i32
      %dma_start3A_70 = tpu.memref_slice %arg13[%dma_start3A_69] : memref<640xf32, #tpu.memory_space<vmem>> -> memref<632xf32, #tpu.memory_space<vmem>>
      tpu.enqueue_dma source(%dma_start3A_70 : memref<632xf32, #tpu.memory_space<vmem>>) target(%dma_start3A_68 : memref<632xf32, #tpu.memory_space<hbm>>) target_semaphore(%run_scoped3A_50 : memref<!tpu.dma_semaphore, #tpu.memory_space<semaphore_mem>>)
      %dma_wait3A_71 = arith.constant 0 : i32
      %dma_wait3A_72 = tpu.memref_slice %arg13[%dma_wait3A_71] : memref<640xf32, #tpu.memory_space<vmem>> -> memref<632xf32, #tpu.memory_space<vmem>>
      %dma_wait3A_73 = arith.constant 0 : i32
      %dma_wait3A_74 = arith.constant 0 : i32
      %dma_wait3A_75 = tpu.memref_slice %arg7[%arg0, %dma_wait3A_73, %dma_wait3A_74] : memref<2x1x10112xf32, #tpu.memory_space<hbm>> -> memref<1x1x10112xf32, #tpu.memory_space<hbm>>
      %dma_wait3A_76 = tpu.memref_squeeze %dma_wait3A_75 : memref<1x1x10112xf32, #tpu.memory_space<hbm>> -> memref<1x10112xf32, #tpu.memory_space<hbm>>
      %dma_wait3A_77 = arith.constant 0 : i32
      %dma_wait3A_78 = tpu.memref_slice %dma_wait3A_76[%run_scoped3A_49, %dma_wait3A_77] : memref<1x10112xf32, #tpu.memory_space<hbm>> -> memref<1x10112xf32, #tpu.memory_space<hbm>>
      %dma_wait3A_79 = tpu.memref_squeeze %dma_wait3A_78 : memref<1x10112xf32, #tpu.memory_space<hbm>> -> memref<10112xf32, #tpu.memory_space<hbm>>
      %dma_wait3A_80 = tpu.memref_slice %dma_wait3A_79[%mul3A_48] : memref<10112xf32, #tpu.memory_space<hbm>> -> memref<632xf32, #tpu.memory_space<hbm>>
      %dma_wait3A_81 = arith.constant 0 : i32
      %dma_wait3A_82 = arith.constant 0 : i32
      %dma_wait3A_83 = tpu.memref_slice %arg7[%arg0, %dma_wait3A_81, %dma_wait3A_82] : memref<2x1x10112xf32, #tpu.memory_space<hbm>> -> memref<1x1x10112xf32, #tpu.memory_space<hbm>>
      %dma_wait3A_84 = tpu.memref_squeeze %dma_wait3A_83 : memref<1x1x10112xf32, #tpu.memory_space<hbm>> -> memref<1x10112xf32, #tpu.memory_space<hbm>>
      %dma_wait3A_85 = arith.constant 0 : i32
      %dma_wait3A_86 = tpu.memref_slice %dma_wait3A_84[%run_scoped3A_49, %dma_wait3A_85] : memref<1x10112xf32, #tpu.memory_space<hbm>> -> memref<1x10112xf32, #tpu.memory_space<hbm>>
      %dma_wait3A_87 = tpu.memref_squeeze %dma_wait3A_86 : memref<1x10112xf32, #tpu.memory_space<hbm>> -> memref<10112xf32, #tpu.memory_space<hbm>>
      %dma_wait3A_88 = tpu.memref_slice %dma_wait3A_87[%mul3A_48] : memref<10112xf32, #tpu.memory_space<hbm>> -> memref<632xf32, #tpu.memory_space<hbm>>
      %dma_wait3A_89 = arith.constant 0 : i32
      %dma_wait3A_90 = tpu.memref_slice %arg13[%dma_wait3A_89] : memref<640xf32, #tpu.memory_space<vmem>> -> memref<632xf32, #tpu.memory_space<vmem>>
      tpu.wait_dma2 semaphore(%run_scoped3A_50 : memref<!tpu.dma_semaphore, #tpu.memory_space<semaphore_mem>>) src(%dma_wait3A_90 : memref<632xf32, #tpu.memory_space<vmem>>) dst(%dma_wait3A_88 : memref<632xf32, #tpu.memory_space<hbm>>)
      tpu.yield
    }) : () -> ()
    return
  }
}

module attributes {stable_mosaic.version = 14 : i64} {
  func.func @_encoder_block(%arg0: i32, %arg1: memref<5000x128xf32, #tpu.memory_space<vmem>>, %arg2: memref<128x128xf32, #tpu.memory_space<vmem>>, %arg3: memref<1x128xf32, #tpu.memory_space<vmem>>, %arg4: memref<128x128xf32, #tpu.memory_space<vmem>>, %arg5: memref<1x128xf32, #tpu.memory_space<vmem>>, %arg6: memref<5000x128xf32, #tpu.memory_space<vmem>>) attributes {dimension_semantics = [#tpu.dimension_semantics<arbitrary>], iteration_bounds = array<i64: 2>, scalar_prefetch = 0 : i64, scratch_operands = 0 : i64, tpu.core_type = #tpu.core_type<tc>, window_params = [{transform_indices = @transform_0, window_bounds = array<i64: 5000, 128>}, {pipeline_mode = #tpu.pipeline_mode<synchronous>, transform_indices = @transform_1, window_bounds = array<i64: 128, 128>}, {pipeline_mode = #tpu.pipeline_mode<synchronous>, transform_indices = @transform_2, window_bounds = array<i64: 1, 128>}, {pipeline_mode = #tpu.pipeline_mode<synchronous>, transform_indices = @transform_3, window_bounds = array<i64: 128, 128>}, {pipeline_mode = #tpu.pipeline_mode<synchronous>, transform_indices = @transform_4, window_bounds = array<i64: 1, 128>}, {transform_indices = @transform_5, window_bounds = array<i64: 5000, 128>}]} {
    %get3A = arith.constant 0 : index
    %get3A_0 = arith.constant 0 : index
    %get3A_1 = vector.load %arg1[%get3A, %get3A_0] : memref<5000x128xf32, #tpu.memory_space<vmem>>, vector<5000x128xf32>
    %get3A_2 = arith.constant 0 : index
    %get3A_3 = arith.constant 0 : index
    %get3A_4 = vector.load %arg2[%get3A_2, %get3A_3] : memref<128x128xf32, #tpu.memory_space<vmem>>, vector<128x128xf32>
    %dot_general3A = arith.constant dense<0.000000e+00> : vector<5000x128xf32>
    %dot_general3A_5 = tpu.matmul %get3A_1, %get3A_4, %dot_general3A {dimension_numbers = #tpu.dot_dimension_numbers<[1], [1], [0], [0], [0, 0, 1, 0], [], []>, transpose_lhs_hint = false} : vector<5000x128xf32>, vector<128x128xf32>, vector<5000x128xf32> -> vector<5000x128xf32>
    %get3A_6 = arith.constant 0 : index
    %get3A_7 = arith.constant 0 : index
    %get3A_8 = vector.load %arg3[%get3A_6, %get3A_7] : memref<1x128xf32, #tpu.memory_space<vmem>>, vector<1x128xf32>
    %add3A = vector.broadcast %get3A_8 : vector<1x128xf32> to vector<5000x128xf32>
    %add3A_9 = arith.addf %dot_general3A_5, %add3A : vector<5000x128xf32>
    %max3A = arith.constant 0.000000e+00 : f32
    %max3A_10 = vector.broadcast %max3A : f32 to vector<5000x128xf32>
    %max3A_11 = arith.maximumf %add3A_9, %max3A_10 : vector<5000x128xf32>
    %get3A_12 = arith.constant 0 : index
    %get3A_13 = arith.constant 0 : index
    %get3A_14 = vector.load %arg4[%get3A_12, %get3A_13] : memref<128x128xf32, #tpu.memory_space<vmem>>, vector<128x128xf32>
    %dot_general3A_15 = arith.constant dense<0.000000e+00> : vector<5000x128xf32>
    %dot_general3A_16 = tpu.matmul %max3A_11, %get3A_14, %dot_general3A_15 {dimension_numbers = #tpu.dot_dimension_numbers<[1], [1], [0], [0], [0, 0, 1, 0], [], []>, transpose_lhs_hint = false} : vector<5000x128xf32>, vector<128x128xf32>, vector<5000x128xf32> -> vector<5000x128xf32>
    %get3A_17 = arith.constant 0 : index
    %get3A_18 = arith.constant 0 : index
    %get3A_19 = vector.load %arg5[%get3A_17, %get3A_18] : memref<1x128xf32, #tpu.memory_space<vmem>>, vector<1x128xf32>
    %add3A_20 = vector.broadcast %get3A_19 : vector<1x128xf32> to vector<5000x128xf32>
    %add3A_21 = arith.addf %dot_general3A_16, %add3A_20 : vector<5000x128xf32>
    %max3A_22 = arith.constant 0.000000e+00 : f32
    %max3A_23 = vector.broadcast %max3A_22 : f32 to vector<5000x128xf32>
    %max3A_24 = arith.maximumf %add3A_21, %max3A_23 : vector<5000x128xf32>
    %swap3A = arith.constant 0 : index
    %swap3A_25 = arith.constant 0 : index
    %swap3A_26 = vector.load %arg6[%swap3A, %swap3A_25] : memref<5000x128xf32, #tpu.memory_space<vmem>>, vector<5000x128xf32>
    tpu.vector_store %arg6[%swap3A, %swap3A_25], %max3A_24 {strides = array<i32>} : memref<5000x128xf32, #tpu.memory_space<vmem>>, vector<5000x128xf32>,
    return
  }
  func.func @transform_0(%arg0: i32) -> (i32, i32) {
    %c0_i32 = arith.constant 0 : i32
    %c0_i32_0 = arith.constant 0 : i32
    return %arg0, %c0_i32 : i32, i32
  }
  func.func @transform_1(%arg0: i32) -> (i32, i32) {
    %c0_i32 = arith.constant 0 : i32
    %c0_i32_0 = arith.constant 0 : i32
    %c0_i32_1 = arith.constant 0 : i32
    return %c0_i32, %c0_i32_0 : i32, i32
  }
  func.func @transform_2(%arg0: i32) -> (i32, i32) {
    %c0_i32 = arith.constant 0 : i32
    %c0_i32_0 = arith.constant 0 : i32
    %c0_i32_1 = arith.constant 0 : i32
    return %c0_i32, %c0_i32_0 : i32, i32
  }
  func.func @transform_3(%arg0: i32) -> (i32, i32) {
    %c0_i32 = arith.constant 0 : i32
    %c0_i32_0 = arith.constant 0 : i32
    %c0_i32_1 = arith.constant 0 : i32
    return %c0_i32, %c0_i32_0 : i32, i32
  }
  func.func @transform_4(%arg0: i32) -> (i32, i32) {
    %c0_i32 = arith.constant 0 : i32
    %c0_i32_0 = arith.constant 0 : i32
    %c0_i32_1 = arith.constant 0 : i32
    return %c0_i32, %c0_i32_0 : i32, i32
  }
  func.func @transform_5(%arg0: i32) -> (i32, i32) {
    %c0_i32 = arith.constant 0 : i32
    %c0_i32_0 = arith.constant 0 : i32
    return %arg0, %c0_i32 : i32, i32
  }
}

module attributes {stable_mosaic.version = 14 : i64} {
  func.func @_combine_block(%arg0: i32, %arg1: memref<2x5000x128xf32, #tpu.memory_space<vmem>>, %arg2: memref<5000x2xf32, #tpu.memory_space<vmem>>, %arg3: memref<5000x128xf32, #tpu.memory_space<vmem>>, %arg4: memref<128x128xf32, #tpu.memory_space<vmem>>, %arg5: memref<1x128xf32, #tpu.memory_space<vmem>>, %arg6: memref<128x128xf32, #tpu.memory_space<vmem>>, %arg7: memref<5000x128xf32, #tpu.memory_space<vmem>>) attributes {dimension_semantics = [#tpu.dimension_semantics<arbitrary>], iteration_bounds = array<i64: 2>, scalar_prefetch = 0 : i64, scratch_operands = 0 : i64, tpu.core_type = #tpu.core_type<tc>, window_params = [{transform_indices = @transform_0, window_bounds = array<i64: 2, 5000, 128>}, {transform_indices = @transform_1, window_bounds = array<i64: 5000, 2>}, {transform_indices = @transform_2, window_bounds = array<i64: 5000, 128>}, {pipeline_mode = #tpu.pipeline_mode<synchronous>, transform_indices = @transform_3, window_bounds = array<i64: 128, 128>}, {pipeline_mode = #tpu.pipeline_mode<synchronous>, transform_indices = @transform_4, window_bounds = array<i64: 1, 128>}, {pipeline_mode = #tpu.pipeline_mode<synchronous>, transform_indices = @transform_5, window_bounds = array<i64: 128, 128>}, {transform_indices = @transform_6, window_bounds = array<i64: 5000, 128>}]} {
    %get3A = arith.constant 0 : index
    %get3A_0 = arith.constant 0 : index
    %get3A_1 = vector.load %arg2[%get3A, %get3A_0] : memref<5000x2xf32, #tpu.memory_space<vmem>>, vector<5000x2xf32>
    %reduce_sum3A = arith.constant dense<0.000000e+00> : vector<5000xf32>
    %reduce_sum3A_2 = vector.multi_reduction <add>, %get3A_1, %reduce_sum3A [1] : vector<5000x2xf32> to vector<5000xf32>
    %broadcast_in_dim3A = vector.shape_cast %reduce_sum3A_2 : vector<5000xf32> to vector<5000x1xf32>
    %max3A = arith.constant 1.000000e+00 : f32
    %max3A_3 = vector.broadcast %max3A : f32 to vector<5000x1xf32>
    %max3A_4 = arith.maximumf %broadcast_in_dim3A, %max3A_3 : vector<5000x1xf32>
    %div3A = arith.constant 1.000000e+00 : f32
    %div3A_5 = vector.broadcast %div3A : f32 to vector<5000x1xf32>
    %div3A_6 = arith.divf %div3A_5, %max3A_4 : vector<5000x1xf32>
    %get3A_7 = arith.constant 0 : index
    %get3A_8 = arith.constant 0 : index
    %get3A_9 = arith.constant 0 : index
    %get3A_10 = vector.load %arg1[%get3A_7, %get3A_8, %get3A_9] : memref<2x5000x128xf32, #tpu.memory_space<vmem>>, vector<1x5000x128xf32>
    %get3A_11 = vector.shape_cast %get3A_10 : vector<1x5000x128xf32> to vector<5000x128xf32>
    %get3A_12 = arith.constant 1 : index
    %get3A_13 = arith.constant 0 : index
    %get3A_14 = arith.constant 0 : index
    %get3A_15 = vector.load %arg1[%get3A_12, %get3A_13, %get3A_14] : memref<2x5000x128xf32, #tpu.memory_space<vmem>>, vector<1x5000x128xf32>
    %get3A_16 = vector.shape_cast %get3A_15 : vector<1x5000x128xf32> to vector<5000x128xf32>
    %add3A = arith.addf %get3A_11, %get3A_16 : vector<5000x128xf32>
    %mul3A = vector.broadcast %div3A_6 : vector<5000x1xf32> to vector<5000x128xf32>
    %mul3A_17 = arith.mulf %add3A, %mul3A : vector<5000x128xf32>
    %get3A_18 = arith.constant 0 : index
    %get3A_19 = arith.constant 0 : index
    %get3A_20 = vector.load %arg4[%get3A_18, %get3A_19] : memref<128x128xf32, #tpu.memory_space<vmem>>, vector<128x128xf32>
    %dot_general3A = arith.constant dense<0.000000e+00> : vector<5000x128xf32>
    %dot_general3A_21 = tpu.matmul %mul3A_17, %get3A_20, %dot_general3A {dimension_numbers = #tpu.dot_dimension_numbers<[1], [1], [0], [0], [0, 0, 1, 0], [], []>, transpose_lhs_hint = false} : vector<5000x128xf32>, vector<128x128xf32>, vector<5000x128xf32> -> vector<5000x128xf32>
    %get3A_22 = arith.constant 0 : index
    %get3A_23 = arith.constant 0 : index
    %get3A_24 = vector.load %arg5[%get3A_22, %get3A_23] : memref<1x128xf32, #tpu.memory_space<vmem>>, vector<1x128xf32>
    %add3A_25 = vector.broadcast %get3A_24 : vector<1x128xf32> to vector<5000x128xf32>
    %add3A_26 = arith.addf %dot_general3A_21, %add3A_25 : vector<5000x128xf32>
    %get3A_27 = arith.constant 0 : index
    %get3A_28 = arith.constant 0 : index
    %get3A_29 = vector.load %arg3[%get3A_27, %get3A_28] : memref<5000x128xf32, #tpu.memory_space<vmem>>, vector<5000x128xf32>
    %get3A_30 = arith.constant 0 : index
    %get3A_31 = arith.constant 0 : index
    %get3A_32 = vector.load %arg6[%get3A_30, %get3A_31] : memref<128x128xf32, #tpu.memory_space<vmem>>, vector<128x128xf32>
    %dot_general3A_33 = arith.constant dense<0.000000e+00> : vector<5000x128xf32>
    %dot_general3A_34 = tpu.matmul %get3A_29, %get3A_32, %dot_general3A_33 {dimension_numbers = #tpu.dot_dimension_numbers<[1], [1], [0], [0], [0, 0, 1, 0], [], []>, transpose_lhs_hint = false} : vector<5000x128xf32>, vector<128x128xf32>, vector<5000x128xf32> -> vector<5000x128xf32>
    %add3A_35 = arith.addf %add3A_26, %dot_general3A_34 : vector<5000x128xf32>
    %max3A_36 = arith.constant 0.000000e+00 : f32
    %max3A_37 = vector.broadcast %max3A_36 : f32 to vector<5000x128xf32>
    %max3A_38 = arith.maximumf %add3A_35, %max3A_37 : vector<5000x128xf32>
    %swap3A = arith.constant 0 : index
    %swap3A_39 = arith.constant 0 : index
    %swap3A_40 = vector.load %arg7[%swap3A, %swap3A_39] : memref<5000x128xf32, #tpu.memory_space<vmem>>, vector<5000x128xf32>
    tpu.vector_store %arg7[%swap3A, %swap3A_39], %max3A_38 {strides = array<i32>} : memref<5000x128xf32, #tpu.memory_space<vmem>>, vector<5000x128xf32>,
    return
  }
  func.func @transform_0(%arg0: i32) -> (i32, i32, i32) {
    %c0_i32 = arith.constant 0 : i32
    %c0_i32_0 = arith.constant 0 : i32
    %c0_i32_1 = arith.constant 0 : i32
    return %c0_i32, %arg0, %c0_i32_0 : i32, i32, i32
  }
  func.func @transform_1(%arg0: i32) -> (i32, i32) {
    %c0_i32 = arith.constant 0 : i32
    %c0_i32_0 = arith.constant 0 : i32
    return %arg0, %c0_i32 : i32, i32
  }
  func.func @transform_2(%arg0: i32) -> (i32, i32) {
    %c0_i32 = arith.constant 0 : i32
    %c0_i32_0 = arith.constant 0 : i32
    return %arg0, %c0_i32 : i32, i32
  }
  func.func @transform_3(%arg0: i32) -> (i32, i32) {
    %c0_i32 = arith.constant 0 : i32
    %c0_i32_0 = arith.constant 0 : i32
    %c0_i32_1 = arith.constant 0 : i32
    return %c0_i32, %c0_i32_0 : i32, i32
  }
  func.func @transform_4(%arg0: i32) -> (i32, i32) {
    %c0_i32 = arith.constant 0 : i32
    %c0_i32_0 = arith.constant 0 : i32
    %c0_i32_1 = arith.constant 0 : i32
    return %c0_i32, %c0_i32_0 : i32, i32
  }
  func.func @transform_5(%arg0: i32) -> (i32, i32) {
    %c0_i32 = arith.constant 0 : i32
    %c0_i32_0 = arith.constant 0 : i32
    %c0_i32_1 = arith.constant 0 : i32
    return %c0_i32, %c0_i32_0 : i32, i32
  }
  func.func @transform_6(%arg0: i32) -> (i32, i32) {
    %c0_i32 = arith.constant 0 : i32
    %c0_i32_0 = arith.constant 0 : i32
    return %arg0, %c0_i32 : i32, i32
  }
}

module attributes {stable_mosaic.version = 14 : i64} {
  func.func @_combine_dec_block(%arg0: i32, %arg1: memref<2x5000x128xf32, #tpu.memory_space<vmem>>, %arg2: memref<5000x2xf32, #tpu.memory_space<vmem>>, %arg3: memref<5000x128xf32, #tpu.memory_space<vmem>>, %arg4: memref<128x128xf32, #tpu.memory_space<vmem>>, %arg5: memref<1x128xf32, #tpu.memory_space<vmem>>, %arg6: memref<128x128xf32, #tpu.memory_space<vmem>>, %arg7: memref<128x128xf32, #tpu.memory_space<vmem>>, %arg8: memref<1x128xf32, #tpu.memory_space<vmem>>, %arg9: memref<128x128xf32, #tpu.memory_space<vmem>>, %arg10: memref<1x128xf32, #tpu.memory_space<vmem>>, %arg11: memref<5000x128xf32, #tpu.memory_space<vmem>>, %arg12: memref<5000x128xf32, #tpu.memory_space<vmem>>) attributes {dimension_semantics = [#tpu.dimension_semantics<arbitrary>], iteration_bounds = array<i64: 2>, scalar_prefetch = 0 : i64, scratch_operands = 0 : i64, tpu.core_type = #tpu.core_type<tc>, window_params = [{transform_indices = @transform_0, window_bounds = array<i64: 2, 5000, 128>}, {transform_indices = @transform_1, window_bounds = array<i64: 5000, 2>}, {transform_indices = @transform_2, window_bounds = array<i64: 5000, 128>}, {pipeline_mode = #tpu.pipeline_mode<synchronous>, transform_indices = @transform_3, window_bounds = array<i64: 128, 128>}, {pipeline_mode = #tpu.pipeline_mode<synchronous>, transform_indices = @transform_4, window_bounds = array<i64: 1, 128>}, {pipeline_mode = #tpu.pipeline_mode<synchronous>, transform_indices = @transform_5, window_bounds = array<i64: 128, 128>}, {pipeline_mode = #tpu.pipeline_mode<synchronous>, transform_indices = @transform_6, window_bounds = array<i64: 128, 128>}, {pipeline_mode = #tpu.pipeline_mode<synchronous>, transform_indices = @transform_7, window_bounds = array<i64: 1, 128>}, {pipeline_mode = #tpu.pipeline_mode<synchronous>, transform_indices = @transform_8, window_bounds = array<i64: 128, 128>}, {pipeline_mode = #tpu.pipeline_mode<synchronous>, transform_indices = @transform_9, window_bounds = array<i64: 1, 128>}, {transform_indices = @transform_10, window_bounds = array<i64: 5000, 128>}, {transform_indices = @transform_11, window_bounds = array<i64: 5000, 128>}]} {
    %get3A = arith.constant 0 : index
    %get3A_0 = arith.constant 0 : index
    %get3A_1 = vector.load %arg2[%get3A, %get3A_0] : memref<5000x2xf32, #tpu.memory_space<vmem>>, vector<5000x2xf32>
    %reduce_sum3A = arith.constant dense<0.000000e+00> : vector<5000xf32>
    %reduce_sum3A_2 = vector.multi_reduction <add>, %get3A_1, %reduce_sum3A [1] : vector<5000x2xf32> to vector<5000xf32>
    %broadcast_in_dim3A = vector.shape_cast %reduce_sum3A_2 : vector<5000xf32> to vector<5000x1xf32>
    %max3A = arith.constant 1.000000e+00 : f32
    %max3A_3 = vector.broadcast %max3A : f32 to vector<5000x1xf32>
    %max3A_4 = arith.maximumf %broadcast_in_dim3A, %max3A_3 : vector<5000x1xf32>
    %div3A = arith.constant 1.000000e+00 : f32
    %div3A_5 = vector.broadcast %div3A : f32 to vector<5000x1xf32>
    %div3A_6 = arith.divf %div3A_5, %max3A_4 : vector<5000x1xf32>
    %get3A_7 = arith.constant 0 : index
    %get3A_8 = arith.constant 0 : index
    %get3A_9 = arith.constant 0 : index
    %get3A_10 = vector.load %arg1[%get3A_7, %get3A_8, %get3A_9] : memref<2x5000x128xf32, #tpu.memory_space<vmem>>, vector<1x5000x128xf32>
    %get3A_11 = vector.shape_cast %get3A_10 : vector<1x5000x128xf32> to vector<5000x128xf32>
    %get3A_12 = arith.constant 1 : index
    %get3A_13 = arith.constant 0 : index
    %get3A_14 = arith.constant 0 : index
    %get3A_15 = vector.load %arg1[%get3A_12, %get3A_13, %get3A_14] : memref<2x5000x128xf32, #tpu.memory_space<vmem>>, vector<1x5000x128xf32>
    %get3A_16 = vector.shape_cast %get3A_15 : vector<1x5000x128xf32> to vector<5000x128xf32>
    %add3A = arith.addf %get3A_11, %get3A_16 : vector<5000x128xf32>
    %mul3A = vector.broadcast %div3A_6 : vector<5000x1xf32> to vector<5000x128xf32>
    %mul3A_17 = arith.mulf %add3A, %mul3A : vector<5000x128xf32>
    %get3A_18 = arith.constant 0 : index
    %get3A_19 = arith.constant 0 : index
    %get3A_20 = vector.load %arg4[%get3A_18, %get3A_19] : memref<128x128xf32, #tpu.memory_space<vmem>>, vector<128x128xf32>
    %dot_general3A = arith.constant dense<0.000000e+00> : vector<5000x128xf32>
    %dot_general3A_21 = tpu.matmul %mul3A_17, %get3A_20, %dot_general3A {dimension_numbers = #tpu.dot_dimension_numbers<[1], [1], [0], [0], [0, 0, 1, 0], [], []>, transpose_lhs_hint = false} : vector<5000x128xf32>, vector<128x128xf32>, vector<5000x128xf32> -> vector<5000x128xf32>
    %get3A_22 = arith.constant 0 : index
    %get3A_23 = arith.constant 0 : index
    %get3A_24 = vector.load %arg5[%get3A_22, %get3A_23] : memref<1x128xf32, #tpu.memory_space<vmem>>, vector<1x128xf32>
    %add3A_25 = vector.broadcast %get3A_24 : vector<1x128xf32> to vector<5000x128xf32>
    %add3A_26 = arith.addf %dot_general3A_21, %add3A_25 : vector<5000x128xf32>
    %get3A_27 = arith.constant 0 : index
    %get3A_28 = arith.constant 0 : index
    %get3A_29 = vector.load %arg3[%get3A_27, %get3A_28] : memref<5000x128xf32, #tpu.memory_space<vmem>>, vector<5000x128xf32>
    %get3A_30 = arith.constant 0 : index
    %get3A_31 = arith.constant 0 : index
    %get3A_32 = vector.load %arg6[%get3A_30, %get3A_31] : memref<128x128xf32, #tpu.memory_space<vmem>>, vector<128x128xf32>
    %dot_general3A_33 = arith.constant dense<0.000000e+00> : vector<5000x128xf32>
    %dot_general3A_34 = tpu.matmul %get3A_29, %get3A_32, %dot_general3A_33 {dimension_numbers = #tpu.dot_dimension_numbers<[1], [1], [0], [0], [0, 0, 1, 0], [], []>, transpose_lhs_hint = false} : vector<5000x128xf32>, vector<128x128xf32>, vector<5000x128xf32> -> vector<5000x128xf32>
    %add3A_35 = arith.addf %add3A_26, %dot_general3A_34 : vector<5000x128xf32>
    %max3A_36 = arith.constant 0.000000e+00 : f32
    %max3A_37 = vector.broadcast %max3A_36 : f32 to vector<5000x128xf32>
    %max3A_38 = arith.maximumf %add3A_35, %max3A_37 : vector<5000x128xf32>
    %swap3A = arith.constant 0 : index
    %swap3A_39 = arith.constant 0 : index
    %swap3A_40 = vector.load %arg11[%swap3A, %swap3A_39] : memref<5000x128xf32, #tpu.memory_space<vmem>>, vector<5000x128xf32>
    tpu.vector_store %arg11[%swap3A, %swap3A_39], %max3A_38 {strides = array<i32>} : memref<5000x128xf32, #tpu.memory_space<vmem>>, vector<5000x128xf32>,
    %get3A_41 = arith.constant 0 : index
    %get3A_42 = arith.constant 0 : index
    %get3A_43 = vector.load %arg7[%get3A_41, %get3A_42] : memref<128x128xf32, #tpu.memory_space<vmem>>, vector<128x128xf32>
    %dot_general3A_44 = arith.constant dense<0.000000e+00> : vector<5000x128xf32>
    %dot_general3A_45 = tpu.matmul %max3A_38, %get3A_43, %dot_general3A_44 {dimension_numbers = #tpu.dot_dimension_numbers<[1], [1], [0], [0], [0, 0, 1, 0], [], []>, transpose_lhs_hint = false} : vector<5000x128xf32>, vector<128x128xf32>, vector<5000x128xf32> -> vector<5000x128xf32>
    %get3A_46 = arith.constant 0 : index
    %get3A_47 = arith.constant 0 : index
    %get3A_48 = vector.load %arg8[%get3A_46, %get3A_47] : memref<1x128xf32, #tpu.memory_space<vmem>>, vector<1x128xf32>
    %add3A_49 = vector.broadcast %get3A_48 : vector<1x128xf32> to vector<5000x128xf32>
    %add3A_50 = arith.addf %dot_general3A_45, %add3A_49 : vector<5000x128xf32>
    %max3A_51 = arith.constant 0.000000e+00 : f32
    %max3A_52 = vector.broadcast %max3A_51 : f32 to vector<5000x128xf32>
    %max3A_53 = arith.maximumf %add3A_50, %max3A_52 : vector<5000x128xf32>
    %get3A_54 = arith.constant 0 : index
    %get3A_55 = arith.constant 0 : index
    %get3A_56 = vector.load %arg9[%get3A_54, %get3A_55] : memref<128x128xf32, #tpu.memory_space<vmem>>, vector<128x128xf32>
    %dot_general3A_57 = arith.constant dense<0.000000e+00> : vector<5000x128xf32>
    %dot_general3A_58 = tpu.matmul %max3A_53, %get3A_56, %dot_general3A_57 {dimension_numbers = #tpu.dot_dimension_numbers<[1], [1], [0], [0], [0, 0, 1, 0], [], []>, transpose_lhs_hint = false} : vector<5000x128xf32>, vector<128x128xf32>, vector<5000x128xf32> -> vector<5000x128xf32>
    %get3A_59 = arith.constant 0 : index
    %get3A_60 = arith.constant 0 : index
    %get3A_61 = vector.load %arg10[%get3A_59, %get3A_60] : memref<1x128xf32, #tpu.memory_space<vmem>>, vector<1x128xf32>
    %add3A_62 = vector.broadcast %get3A_61 : vector<1x128xf32> to vector<5000x128xf32>
    %add3A_63 = arith.addf %dot_general3A_58, %add3A_62 : vector<5000x128xf32>
    %swap3A_64 = arith.constant 0 : index
    %swap3A_65 = arith.constant 0 : index
    %swap3A_66 = vector.load %arg12[%swap3A_64, %swap3A_65] : memref<5000x128xf32, #tpu.memory_space<vmem>>, vector<5000x128xf32>
    tpu.vector_store %arg12[%swap3A_64, %swap3A_65], %add3A_63 {strides = array<i32>} : memref<5000x128xf32, #tpu.memory_space<vmem>>, vector<5000x128xf32>,
    return
  }
  func.func @transform_0(%arg0: i32) -> (i32, i32, i32) {
    %c0_i32 = arith.constant 0 : i32
    %c0_i32_0 = arith.constant 0 : i32
    %c0_i32_1 = arith.constant 0 : i32
    return %c0_i32, %arg0, %c0_i32_0 : i32, i32, i32
  }
  func.func @transform_1(%arg0: i32) -> (i32, i32) {
    %c0_i32 = arith.constant 0 : i32
    %c0_i32_0 = arith.constant 0 : i32
    return %arg0, %c0_i32 : i32, i32
  }
  func.func @transform_2(%arg0: i32) -> (i32, i32) {
    %c0_i32 = arith.constant 0 : i32
    %c0_i32_0 = arith.constant 0 : i32
    return %arg0, %c0_i32 : i32, i32
  }
  func.func @transform_3(%arg0: i32) -> (i32, i32) {
    %c0_i32 = arith.constant 0 : i32
    %c0_i32_0 = arith.constant 0 : i32
    %c0_i32_1 = arith.constant 0 : i32
    return %c0_i32, %c0_i32_0 : i32, i32
  }
  func.func @transform_4(%arg0: i32) -> (i32, i32) {
    %c0_i32 = arith.constant 0 : i32
    %c0_i32_0 = arith.constant 0 : i32
    %c0_i32_1 = arith.constant 0 : i32
    return %c0_i32, %c0_i32_0 : i32, i32
  }
  func.func @transform_5(%arg0: i32) -> (i32, i32) {
    %c0_i32 = arith.constant 0 : i32
    %c0_i32_0 = arith.constant 0 : i32
    %c0_i32_1 = arith.constant 0 : i32
    return %c0_i32, %c0_i32_0 : i32, i32
  }
  func.func @transform_6(%arg0: i32) -> (i32, i32) {
    %c0_i32 = arith.constant 0 : i32
    %c0_i32_0 = arith.constant 0 : i32
    %c0_i32_1 = arith.constant 0 : i32
    return %c0_i32, %c0_i32_0 : i32, i32
  }
  func.func @transform_7(%arg0: i32) -> (i32, i32) {
    %c0_i32 = arith.constant 0 : i32
    %c0_i32_0 = arith.constant 0 : i32
    %c0_i32_1 = arith.constant 0 : i32
    return %c0_i32, %c0_i32_0 : i32, i32
  }
  func.func @transform_8(%arg0: i32) -> (i32, i32) {
    %c0_i32 = arith.constant 0 : i32
    %c0_i32_0 = arith.constant 0 : i32
    %c0_i32_1 = arith.constant 0 : i32
    return %c0_i32, %c0_i32_0 : i32, i32
  }
  func.func @transform_9(%arg0: i32) -> (i32, i32) {
    %c0_i32 = arith.constant 0 : i32
    %c0_i32_0 = arith.constant 0 : i32
    %c0_i32_1 = arith.constant 0 : i32
    return %c0_i32, %c0_i32_0 : i32, i32
  }
  func.func @transform_10(%arg0: i32) -> (i32, i32) {
    %c0_i32 = arith.constant 0 : i32
    %c0_i32_0 = arith.constant 0 : i32
    return %arg0, %c0_i32 : i32, i32
  }
  func.func @transform_11(%arg0: i32) -> (i32, i32) {
    %c0_i32 = arith.constant 0 : i32
    %c0_i32_0 = arith.constant 0 : i32
    return %arg0, %c0_i32 : i32, i32
  }
}

</mosaic_0001>

<sc_bundles>
// kernel: kernel.10.cloned.1.call-start
scs
__scs_entry_jumppad:
0x0: {  	(pc) =	sbr.rel $0x88, $3  }
0x1: {  	(tag) =	ssettag $0x0;
	lr =	simm.s32 $0x1  }
0x2: {  	[smem:$0x3F91] =	sst lr;
	_ =	strace $0xD0000000  }
0x3: {  	_ = 	snop  }
0x4: {  	_ = 	snop  }
0x5: {  	_ = 	snop  }
0x6: {  	_ = 	snop  }
0x7: {  	_ = 	snop  }
__scs_overlays_trampoline_lowered:
0x8: {  	[smem:$0x3FA0] =	sst s0  }
0x9: {  	[smem:$0x3FA1] =	sst s1  }
0xa: {  	[smem:$0x3FA2] =	sst s2  }
0xb: {  	[smem:$0x3FA3] =	sst s3  }
0xc: {  	[smem:$0x3FA4] =	sst s4  }
0xd: {  	[smem:$0x3FA5] =	sst s5  }
0xe: {  	[smem:$0x3FA6] =	sst s6  }
0xf: {  	[smem:$0x3FA7] =	sst s7  }
0x10: {  	[smem:$0x3FA8] =	sst s8  }
0x11: {  	[smem:$0x3FA9] =	sst s9;
	s0 =	simm.s32 @!p0 $0x0  }
0x12: {  	s1 =	sld [smem:$0x3F8F];
	s0 =	simm.s32 @p0 $0x1  }
0x13: {  	[smem:$0x3FAA] =	sst s0;
	s0 =	simm.s32 @!p1 $0x0  }
0x14: {  	s2 =	sld [smem:$0x3F8E];
	s0 =	simm.s32 @p1 $0x1  }
0x15: {  	[smem:$0x3FAB] =	sst s0;
	s0 =	simm.s32 @!p2 $0x0  }
0x16: {  	s3 =	sld [smem:$0x3FDB];
	s0 =	simm.s32 @p2 $0x1  }
0x17: {  	s4 =	simm.s32 $0x1BF5;
	[smem:$0x3FAD] =	sst s0  }
0x18: {  	s0 =	sld [smem:$0x3F90];
	_ =	swait.ge [sflag:s4], $0x0  }
0x19: {  	s7 =	sld [smem:$0x3F91]  }
0x1a: {  	s8 =	sadd.s32 $0xFFFFE003, lr  }
0x1b: {  	s9 =	sadd.s32 $0xFFFFFEF7, lr;
	s5 =	simm.s32 $0xFFFFFFFF;
	p2 =	slt.u32 s8, $0xFFFFF086  }
0x1c: {  	p1 =	slt.u32 s9, $0xF7A;
	s5 =	simm.s32 @!p2 $0x0  }
0x1d: {  	s5 =	simm.s32 @p1 $0x1;
	p0 =	seq.s32 s7, s2  }
0x1e: {  	s7 =	smul.u32 @!p0 $0xF7A, s2;
	p2 =	seq.s32 @!p0 s5, $0x0  }
0x1f: {  	s9 =	smul.u32 $0xF7A, s1;
	s8 =	simm.s32 @!p0 $0x1BF5;
	p2 =	por !p2, p0  }
0x20: {  	[sflag:s8] =	ssyncset.s32 @!p0 $0xFFFFF086;
	s6 =	sadd.s32 @!p0 s3, s7;
	s7 =	simm.s32 @!p0 $0x108  }
0x21: {  	s3 =	sadd.s32 s3, s9;
	s6 =	sadd.s32 @!p0 $0x88, s6;
	s7 =	simm.s32 @p2 $0x1082  }
0x22: {  	[simem:s7], [sflag:s8] =	dma.local @!p0 [hbm:s6], $0xF7A  }
0x23: {  	s9 =	sor.u32 $0xD0000000, s2;
	s6 =	simm.s32 $0x108;
	_ =	swait.ge @!p0 [sflag:s8], $0x0  }
0x24: {  	s3 =	sadd.s32 $0x88, s3;
	s6 =	simm.s32 @!p1 $0x1082;
	[sflag:s4] =	ssyncset.s32 $0xFFFFF086  }
0x25: {  	[simem:s6], [sflag:s4] =	dma.local [hbm:s3], $0xF7A  }
0x26: {  	[smem:$0x3F91] =	sst s1;
	(tag) =	ssettag s2;
	_ =	strace s9  }
0x27: {  	s1 =	sld [smem:$0x3FA1]  }
0x28: {  	s2 =	sld [smem:$0x3FA2]  }
0x29: {  	s4 =	sld [smem:$0x3FA4]  }
0x2a: {  	p0 =	seq.s32 s5, $0x0;
	s5 =	sld [smem:$0x3FA5]  }
0x2b: {  	s6 =	sld [smem:$0x3FA6]  }
0x2c: {  	s7 =	sld [smem:$0x3FA7]  }
0x2d: {  	s3 =	simm.s32 $0x108;
	s8 =	sld [smem:$0x3FA8]  }
0x2e: {  	s3 =	simm.s32 @!p0 $0x1082;
	s9 =	sld [smem:$0x3FA9]  }
0x2f: {  	lr =	sadd.s32 s0, s3;
	s0 =	sld [smem:$0x3FA0]  }
0x30: {  	s3 =	sld [smem:$0x3FA3]  }
0x31: {  	[smem:$0x3FAC] =	sst s10  }
0x32: {  	s10 =	sld [smem:$0x3FAA];
	_ =	sdelay $0x3  }
0x33: {  	p0 =	seq.s32 s10, $0x1;
	s10 =	sld [smem:$0x3FAC];
	_ =	sdelay $0x3  }
0x34: {  	[smem:$0x3FAC] =	sst s10  }
0x35: {  	s10 =	sld [smem:$0x3FAB];
	_ =	sdelay $0x3  }
0x36: {  	p1 =	seq.s32 s10, $0x1;
	s10 =	sld [smem:$0x3FAC];
	_ =	sdelay $0x3  }
0x37: {  	[smem:$0x3FAC] =	sst s10  }
0x38: {  	s10 =	sld [smem:$0x3FAD]  }
0x39: {  	_ = 	snop;
	(pc) =	sbr.ind lr, $3  }
0x3a: {  	_ = 	snop  }
0x3b: {  	_ = 	snop  }
0x3c: {  	p2 =	seq.s32 s10, $0x1;
	s10 =	sld [smem:$0x3FAC]  }
0x3d: {  	_ =	shalt  }
0x3e: {  	_ =	shalt  }
0x3f: {  	_ =	shalt  }
0x40: {  	_ =	shalt  }
0x41: {  	_ =	shalt  }
0x42: {  	_ =	shalt  }
0x43: {  	_ =	shalt  }
0x44: {  	_ =	shalt  }
0x45: {  	_ =	shalt  }
0x46: {  	_ =	shalt  }
0x47: {  	_ =	shalt  }
0x48: {  	_ =	shalt  }
0x49: {  	_ =	shalt  }
0x4a: {  	_ =	shalt  }
0x4b: {  	_ =	shalt  }
0x4c: {  	_ =	shalt  }
0x4d: {  	_ =	shalt  }
0x4e: {  	_ =	shalt  }
0x4f: {  	_ =	shalt  }
0x50: {  	_ =	shalt  }
0x51: {  	_ =	shalt  }
0x52: {  	_ =	shalt  }
0x53: {  	_ =	shalt  }
0x54: {  	_ =	shalt  }
0x55: {  	_ =	shalt  }
0x56: {  	_ =	shalt  }
0x57: {  	_ =	shalt  }
0x58: {  	_ =	shalt  }
0x59: {  	_ =	shalt  }
0x5a: {  	_ =	shalt  }
0x5b: {  	_ =	shalt  }
0x5c: {  	_ =	shalt  }
0x5d: {  	_ =	shalt  }
0x5e: {  	_ =	shalt  }
0x5f: {  	_ =	shalt  }
0x60: {  	_ =	shalt  }
0x61: {  	_ =	shalt  }
0x62: {  	_ =	shalt  }
0x63: {  	_ =	shalt  }
0x64: {  	_ =	shalt  }
0x65: {  	_ =	shalt  }
0x66: {  	_ =	shalt  }
0x67: {  	_ =	shalt  }
0x68: {  	_ =	shalt  }
0x69: {  	_ =	shalt  }
0x6a: {  	_ =	shalt  }
0x6b: {  	_ =	shalt  }
0x6c: {  	_ =	shalt  }
0x6d: {  	_ =	shalt  }
0x6e: {  	_ =	shalt  }
0x6f: {  	_ =	shalt  }
0x70: {  	_ =	shalt  }
0x71: {  	_ =	shalt  }
0x72: {  	_ =	shalt  }
0x73: {  	_ =	shalt  }
0x74: {  	_ =	shalt  }
0x75: {  	_ =	shalt  }
0x76: {  	_ =	shalt  }
0x77: {  	_ =	shalt  }
0x78: {  	_ =	shalt  }
0x79: {  	_ =	shalt  }
0x7a: {  	_ =	shalt  }
0x7b: {  	_ =	shalt  }
0x7c: {  	_ =	shalt  }
0x7d: {  	_ =	shalt  }
0x7e: {  	_ =	shalt  }
0x7f: {  	_ =	shalt  }
0x80: {  	_ =	shalt  }
0x81: {  	_ =	shalt  }
0x82: {  	_ =	shalt  }
0x83: {  	_ =	shalt  }
0x84: {  	_ =	shalt  }
0x85: {  	_ =	shalt  }
0x86: {  	_ =	shalt  }
0x87: {  	_ =	shalt  }
.Lfunc_end0:
.L_simem_size_0:
called_computation.1_lowered:
.L_overlay_start_0:
0x88: {  	s2 =	sld [smem:$0x3FD9]  }
0x89: {  	s3 =	sld [smem:$0x3FFE];
	_ =	sdelay $0x1  }
0x8a: {  	s1 =	srdreg.scid  }
0x8b: {  	s0 =	sand.u32 $0x1, s1  }
0x8c: {  	s14 =	sshll.u32 s0, $0xA;
	s2 =	sadd.s32 s3, s2  }
0x8d: {  	s2 =	sadd.s32 s2, s14  }
0x8e: {  	[smem:$0x3FB8] =	sst s2  }
0x8f: {  	_ = 	snop  }
0x90: {  	s2 =	sld [smem:$0x3FD0];
	_ =	sdelay $0x2  }
0x91: {  	s15 =	simm.s32 $0xA;
	s4 =	simm.s32 $0x10  }
0x92: {  	[smem:s4], [sflag:s15] =	dma.local [hbm:s2], $0x1  }
0x93: {  	_ =	swait.eq [sflag:s15], $0x1  }
0x94: {  	[sflag:s15] =	ssyncset.done $0x0  }
0x95: {  	s16 =	sld [smem:$0x10];
	[sflag:s15] =	ssyncadd.s32 $0xFFFFFFFF  }
0x96: {  	s17 =	sld [smem:$0x11];
	(tm) =	ssettm $0x1  }
0x97: {  	s18 =	sld [smem:$0x3FFB];
	_ =	sdelay $0x3  }
0x98: {  	_ =	strace s18  }
0x99: {  	s4 =	sld [smem:$0x3FFC];
	_ =	sdelay $0x3  }
0x9a: {  	_ =	strace s4  }
0x9b: {  	s4 =	sld [smem:$0x3FFD];
	_ =	sdelay $0x3  }
0x9c: {  	_ =	strace s4  }
0x9d: {  	_ =	strace $0x8FFFFFFF  }
0x9e: {  	s19 =	sld [smem:$0x3FDB];
	_ =	sdelay $0x1  }
0x9f: {  	s5 =	simm.s32 $_scs_section_size  }
0xa0: {  	s6 =	simm.s32 $_size__tile_overlayer_lowered;
	s7 =	simm.s32 $_tile_overlayer_lowered  }
0xa1: {  	s22 =	simm.s32 $0x1BFF;
	s21 =	sshll.u32 s7, $0x1;
	s4 =	sadd.s32 s5, s19  }
0xa2: {  	s8 =	simm.s32 $0x0;
	s20 =	sshll.u32 s6, $0x1;
	s6 =	sadd.s32 s21, s4  }
0xa3: {  	[timem:s8], [sflag:s22] =	dma.local [hbm:s6], s20  }
0xa4: {  	_ =	swait.ge [sflag:s22], s20  }
0xa5: {  	s5 =	ssub.s32 $0x0, s20;
	[sflag:s22] =	ssyncset.done $0x0  }
0xa6: {  	[sflag:s22] =	ssyncadd.s32 s5;
	_ =	sdelay $0x1  }
0xa7: {  	s23 =	simm.s32 $0x1B8B  }
0xa8: {  	_ =	swait.ge [sflag:s23], $0x1  }
0xa9: {  	[sflag:s23] =	ssyncset.done $0x0  }
0xaa: {  	s25 =	simm.s32 $0x1B8E;
	s24 =	sld [smem:$0x3FFE];
	[sflag:s23] =	ssyncadd.s32 $0xFFFFFFFF  }
0xab: {  	s26 =	simm.s32 $execute0_lowered;
	[smem:$0x3FD2] =	sst s25  }
0xac: {  	s6 =	sshll.u32 s26, $0x1;
	_ =	strace $0x80000049;
	[dreg:$0x1] =	wrdreg $0xFFFFFFFF  }
0xad: {  	s28 =	simm.s32 $_size_execute0_lowered;
	s4 =	sadd.s32 s4, s6;
	[dreg:$0x0] =	wrdreg $0x0  }
0xae: {  	s6 =	sshll.u32 s28, $0x1;
	[dreg:$0x2] =	wrdreg s4  }
0xaf: {  	[dreg:$0x3] =	wrdreg s6  }
0xb0: {  	[dreg:$0x4] =	wrdreg $0xC0  }
0xb1: {  	_ =	task [dreg:s8], $0x5FFFF  }
0xb2: {  	[dreg:$0x1] =	wrdreg $0xFFFFFFFF  }
0xb3: {  	[dreg:$0x0] =	wrdreg $0x60  }
0xb4: {  	[dreg:$0x2] =	wrdreg s16  }
0xb5: {  	[dreg:$0x3] =	wrdreg s24  }
0xb6: {  	[dreg:$0x4] =	wrdreg s17  }
0xb7: {  	[dreg:$0x5] =	wrdreg $0xB7800  }
0xb8: {  	[dreg:$0x6] =	wrdreg $0x9  }
0xb9: {  	_ =	task.clear_ibuf [dreg:s8], $0x7FFFF;
	_ =	strace $0x90000049  }
0xba: {  	s29 =	simm.s32 $0x9;
	_ =	strace $0x8000004B  }
0xbb: {  	_ =	swait.ge [sflag:s29], $0x1  }
0xbc: {  	[sflag:s29] =	ssyncadd.s32 $0xFFFFFFFF  }
0xbd: {  	_ =	strace $0x9000004B  }
0xbe: {  	_ =	sfence  }
0xbf: {  	s30 =	sld [smem:$0x0];
	_ =	sdelay $0x2  }
0xc0: {  	s31 =	sshll.u32 s1, $0xD;
	s1 =	sshrl.u32 s1, $0x2  }
0xc1: {  	s3 =	sand.u32 $0x4000, s31;
	s1 =	sadd.s32 s1, s30  }
0xc2: {  	s0 =	sor.u32 s3, s0;
	s1 =	sshll.u32 s1, $0x11  }
0xc3: {  	s0 =	sor.u32 s1, s0  }
0xc4: {  	s0 =	sadd.s32 $0x8F2B, s0  }
0xc5: {  	[sflag:s0] =	ssyncadd.remote.s32 $0x1  }
0xc6: {  	_ =	sfence.sel $0xFFFF  }
0xc7: {  	[dreg:$0x0] =	wrdreg $0xFFFFFFFF;
	(pc) =	sbr.abs _section_cstart, $3  }
0xc8: {  	[dreg:$0x1] =	wrdreg $0xFFFFFFFF  }
0xc9: {  	_ =	task.clear_ibuf [dreg:s8], $0x2FFFF;
	_ =	strace $0x9FFFFFFF  }
0xca: {  	(tm) =	ssettm $0x7FFFFFFF  }
0xcb: {  	_ =	shalt  }
tec
execute0_lowered:
.L_overlay_start_1:
0x0: {  	(tag) =	ssettag $0x1  }
0x1: {  	s1 =	rddreg [dreg:$0x0]  }
0x2: {  	s5 =	rddreg [dreg:$0x1];
	s2 =	srdreg.scid  }
0x3: {  	s0 =	stileid.u32;
	s6 =	rddreg [dreg:$0x2]  }
0x4: {  	s3 =	rddreg [dreg:$0x3];
	s4 =	simm.s32 $0x0;
	s16 =	simm.s32 $0x1  }
0x5: {  	s17 =	simm.s32 $0x2;
	s18 =	simm.s32 $0x6480;
	s19 =	simm.s32 $0x26C0  }
0x6: {  	s20 =	simm.s32 $0x6500;
	s21 =	simm.s32 $0x6580;
	s7 =	sand.u32 $0x1, s2  }
0x7: {  	s29 =	sshll.u32 s0, $0x1;
	s2 =	rddreg [dreg:$0x4];
	s22 =	smul.u32 $0x2780, s0  }
0x8: {  	[smem:$0x7FF] =	sst s4;
	s12 =	smul.u32 $0x4F000, s0;
	s14 =	sshll.u32 s0, $0x6  }
0x9: {  	s8 =	sor.u32 s7, s29;
	_ =	strace $0x8000004A;
	s10 =	smul.u32 $0x27800, s7  }
0xa: {  	s7 =	ssub.s32 $0x2, s7;
	s14 =	sor.u32 $0x1C03, s14;
	s9 =	smul.u32 $0x4E2, s8  }
0xb: {  	s11 =	sshrl.u32 s7, $0x1;
	s13 =	sadd.s32 s22, s5;
	s30 =	sshll.u32 s8, $0xB  }
0xc: {  	s31 =	sshrl.u32 s12, $0x2;
	s12 =	simm.s32 $0x6780;
	s10 =	sadd.s32 s10, s5  }
0xd: {  	s11 =	ssub.s32 s7, s11;
	s6 =	sadd.s32 s6, s30;
	s15 =	sadd.s32 s31, s3  }
0xe: {  	s7 =	sadd.s32 $0xCC00, s13;
	s13 =	simm.s32 $0x8F80;
	s9 =	sadd.s32 s9, s5  }
0xf: {  	s23 =	sadd.s32 $0x34400, s10;
	s8 =	smax.u32 s11, $0x1;
	s10 =	simm.s32 $0x2780  }
0x10: {  	s11 =	simm.s32 $0x50;
	s15 =	sshrl.u32 s15, $0x3;
	s5 =	sadd.s32 $0x2E00, s9  }
0x11: {  	s9 =	simm.s32 $0x3;
	s22 =	sadd.s32 s22, s23;
	s23 =	simm.s32 $0x0  }
.LBB2_1:
0x12: {  	[tilespmem:s4], [sflag:$0x3] =	stream.linear.gather [hbm4b:s5+s4], $0x2710, $0x38;
	[tilespmem:$0x1F380] =	vst v63  }
0x13: {  	_ =	swait.ge [sflag:s9], $0x2710  }
0x14: {  	[sflag:s9] =	ssyncset.done $0x0  }
0x15: {  	[sflag:s9] =	ssyncadd.s32 $0xFFFFD8F0  }
0x16: {  	[tilespmem:s10], [sflag:$0x3] =	stream.linear.gather [hbm4b:s6+s4], $0x3E80, $0x38;
	[tilespmem:$0x1F380] =	vst v63  }
0x17: {  	_ =	swait.ge [sflag:s9], $0x3E80  }
0x18: {  	[sflag:s9] =	ssyncset.done $0x0  }
0x19: {  	[sflag:s9] =	ssyncadd.s32 $0xFFFFC180  }
0x1a: {  	[tilespmem:s12], [sflag:$0x1] =	stream.indirect.gather [hbm4b:s1+s11], $0x80, s4, s11, $0xb8;
	[tilespmem:$0x1F380] =	vst v63  }
0x1b: {  	_ = 	snop  }
0x1c: {  	[tilespmem:s13], [sflag:$0x2] =	stream.indirect.gather [hbm4b:s1+s11], $0x80, s11, s11, $0xb8;
	[tilespmem:$0x1F380] =	vst v63  }
0x1d: {  	[spmem:s15], [sflag:s14] =	dma.local [hbm:s7], $0x2780  }
0x1e: {  	_ =	swait.ge [sflag:s9], $0x2780  }
0x1f: {  	[sflag:s9] =	ssyncset.done $0x0  }
0x20: {  	[sflag:s9] =	ssyncadd.s32 $0xFFFFD880  }
0x21: {  	[bflag:$0x0] =	sbarrier.arrive $0xFFFF  }
0x22: {  	_ =	swait.ge [sflag:s16], $0x2800  }
0x23: {  	[sflag:s16] =	ssyncset.done $0x0  }
0x24: {  	s24 =	simm.s32 $0x2780;
	[sflag:s16] =	ssyncadd.s32 $0xFFFFD800  }
0x25: {  	[spmem:s3] =	stream.indirect.scatter.add.f32 [tilespmem:s12], [sflag:$0x3], $0x80, s24, s11, $0xb8;
	[tilespmem:$0x1F380] =	vst v63  }
0x26: {  	_ =	swait.ge [sflag:s9], $0x2800  }
0x27: {  	[sflag:s9] =	ssyncset.done $0x0  }
0x28: {  	s30 =	simm.s32 $0xA0;
	[sflag:s9] =	ssyncadd.s32 $0xFFFFD800  }
0x29: {  	[tilespmem:s12], [sflag:$0x1] =	stream.indirect.gather [hbm4b:s1+s11], $0x80, s30, s11, $0xb8;
	[tilespmem:$0x1F380] =	vst v63  }
0x2a: {  	_ =	swait.ge [sflag:s17], $0x2800  }
0x2b: {  	[sflag:s17] =	ssyncset.done $0x0  }
0x2c: {  	s31 =	simm.s32 $0x2800;
	[sflag:s17] =	ssyncadd.s32 $0xFFFFD800  }
0x2d: {  	[spmem:s3] =	stream.indirect.scatter.add.f32 [tilespmem:s13], [sflag:$0x3], $0x80, s31, s11, $0xb8;
	[tilespmem:$0x1F380] =	vst v63  }
0x2e: {  	_ =	swait.ge [sflag:s9], $0x2800  }
0x2f: {  	s25 =	simm.s32 $0x400;
	[sflag:s9] =	ssyncset.done $0x0  }
0x30: {  	s26 =	simm.s32 $0x190;
	s24 =	simm.s32 $0xF0;
	[sflag:s9] =	ssyncadd.s32 $0xFFFFD800  }
.LBB2_2:
0x31: {  	[tilespmem:s13], [sflag:$0x2] =	stream.indirect.gather [hbm4b:s1+s11], $0x80, s24, s11, $0xb8;
	[tilespmem:$0x1F380] =	vst v63  }
0x32: {  	s28 =	smov.u32 s25;
	s24 =	smov.u32 s26  }
0x33: {  	p0 =	sne.s32 s25, $0xF000;
	s25 =	sadd.s32 $0x400, s25;
	_ =	swait.ge [sflag:s16], $0x2800  }
0x34: {  	s28 =	sshra.s32 s28, $0x2;
	[sflag:s16] =	ssyncset.done $0x0  }
0x35: {  	s29 =	sadd.s32 $0x2780, s28;
	[sflag:s16] =	ssyncadd.s32 $0xFFFFD800  }
0x36: {  	[spmem:s3] =	stream.indirect.scatter.add.f32 [tilespmem:s12], [sflag:$0x3], $0x80, s29, s11, $0xb8;
	[tilespmem:$0x1F380] =	vst v63  }
0x37: {  	_ =	swait.ge [sflag:s9], $0x2800  }
0x38: {  	[sflag:s9] =	ssyncset.done $0x0  }
0x39: {  	s29 =	sadd.s32 $0xFFFFFFB0, s26;
	[sflag:s9] =	ssyncadd.s32 $0xFFFFD800  }
0x3a: {  	[tilespmem:s12], [sflag:$0x1] =	stream.indirect.gather [hbm4b:s1+s11], $0x80, s29, s11, $0xb8;
	[tilespmem:$0x1F380] =	vst v63  }
0x3b: {  	_ =	swait.ge [sflag:s17], $0x2800  }
0x3c: {  	[sflag:s17] =	ssyncset.done $0x0  }
.Ltmp0:
0x3d: {  	s28 =	sadd.s32 $0x2800, s28;
	[sflag:s17] =	ssyncadd.s32 $0xFFFFD800;
	(pc) =	sbr.rel @p0 .LBB2_2-.Ltmp0, $4  }
0x3e: {  	[spmem:s3] =	stream.indirect.scatter.add.f32 [tilespmem:s13], [sflag:$0x3], $0x80, s28, s11, $0xb8;
	[tilespmem:$0x1F380] =	vst v63  }
0x3f: {  	_ =	swait.ge [sflag:s9], $0x2800  }
0x40: {  	[sflag:s9] =	ssyncset.done $0x0  }
0x41: {  	s26 =	sadd.s32 $0xA0, s26;
	[sflag:s9] =	ssyncadd.s32 $0xFFFFD800  }
0x42: {  	[tilespmem:s13], [sflag:$0x2] =	stream.indirect.gather [hbm4b:s1+s11], $0x80, s24, s11, $0xb8;
	[tilespmem:$0x1F380] =	vst v63  }
0x43: {  	_ =	swait.ge [sflag:s16], $0x2800  }
0x44: {  	[sflag:s16] =	ssyncset.done $0x0  }
0x45: {  	[sflag:s16] =	ssyncadd.s32 $0xFFFFD800  }
0x46: {  	[spmem:s3] =	stream.indirect.scatter.add.f32 [tilespmem:s12], [sflag:$0x3], $0x80, s18, s11, $0xb8;
	[tilespmem:$0x1F380] =	vst v63  }
0x47: {  	_ =	swait.ge [sflag:s9], $0x2800  }
0x48: {  	[sflag:s9] =	ssyncset.done $0x0  }
0x49: {  	[sflag:s9] =	ssyncadd.s32 $0xFFFFD800  }
0x4a: {  	[tilespmem:s12], [sflag:$0x1] =	stream.indirect.gather [hbm4b:s1+s11], $0x80, s19, s11, $0xb8;
	[tilespmem:$0x1F380] =	vst v63  }
0x4b: {  	_ =	swait.ge [sflag:s17], $0x2800  }
0x4c: {  	[sflag:s17] =	ssyncset.done $0x0  }
0x4d: {  	[sflag:s17] =	ssyncadd.s32 $0xFFFFD800  }
0x4e: {  	[spmem:s3] =	stream.indirect.scatter.add.f32 [tilespmem:s13], [sflag:$0x3], $0x80, s20, s11, $0xb8;
	[tilespmem:$0x1F380] =	vst v63  }
0x4f: {  	_ =	swait.ge [sflag:s9], $0x2800  }
0x50: {  	[sflag:s9] =	ssyncset.done $0x0  }
0x51: {  	[sflag:s9] =	ssyncadd.s32 $0xFFFFD800  }
0x52: {  	_ =	swait.ge [sflag:s16], $0x2800  }
0x53: {  	[sflag:s16] =	ssyncset.done $0x0  }
0x54: {  	[sflag:s16] =	ssyncadd.s32 $0xFFFFD800  }
0x55: {  	[spmem:s3] =	stream.indirect.scatter.add.f32 [tilespmem:s12], [sflag:$0x3], $0x80, s21, s11, $0xb8;
	[tilespmem:$0x1F380] =	vst v63  }
0x56: {  	_ =	swait.ge [sflag:s9], $0x2800  }
0x57: {  	s23 =	sadd.s32 $0x1, s23;
	[sflag:s9] =	ssyncset.done $0x0  }
0x58: {  	p0 =	sne.s32 s23, s8;
	[sflag:s9] =	ssyncadd.s32 $0xFFFFD800  }
.Ltmp1:
0x59: {  	[bflag:$0x0] =	sbarrier.arrive $0xFFFF;
	(pc) =	sbr.rel @p0 .LBB2_1-.Ltmp1, $4  }
0x5a: {  	[hbm:s22], [sflag:s14] =	dma.local [spmem:s15], $0x2780  }
0x5b: {  	_ =	swait.ge [sflag:s9], $0x2780  }
0x5c: {  	[sflag:s9] =	ssyncset.done $0x0  }
0x5d: {  	[sflag:s9] =	ssyncadd.s32 $0xFFFFD880  }
0x5e: {  	_ =	sfence.sel $0x180000  }
0x5f: {  	[bflag:$0x0] =	sbarrier.arrive $0xFFFF  }
0x60: {  	p0 =	sne.s32 s0, $0x0;
	_ =	strace $0x9000004A  }
0x61: {  	s0 =	sadd.s32 @!p0 $0x100000, s2;
	[bflag:$0x2] =	sbarrier.arrive $0xFFFF  }
0x62: {  	[sflag:s0] =	ssyncadd.tile.s32 @!p0 $0x1;
	_ =	shalt  }
.Lfunc_end2:
_tile_overlayer_lowered:
.L_overlay_start_2:
0x63: {  	(tag) =	ssettag $0x2  }
0x64: {  	s0 =	rddreg [dreg:$0x0];
	s2 =	stileid.u32  }
0x65: {  	s1 =	rddreg [dreg:$0x1];
	p0 =	sne.s32 s2, $0x0  }
0x66: {  	s3 =	rddreg [dreg:$0x2];
	[bflag:$0x3] =	sbarrier.arrive $0xFFFF;
	s2 =	simm.s32 @!p0 $0x1C03  }
0x67: {  	[timem:s3], [sflag:s2] =	dma.local @!p0 [hbm:s0], s1  }
0x68: {  	s0 =	simm.s32 @!p0 $0x3  }
0x69: {  	_ =	swait.ge @!p0 [sflag:s0], s1  }
0x6a: {  	s1 =	ssub.s32 @!p0 $0x0, s1;
	[sflag:s0] =	ssyncset.done @!p0 $0x0  }
0x6b: {  	[sflag:s0] =	ssyncadd.s32 @!p0 s1  }
0x6c: {  	[bflag:$0x3] =	sbarrier.arrive $0xFFFF  }
0x6d: {  	_ =	shalt  }

// kernel: kernel.7.cloned.1.call-start
scs
__scs_entry_jumppad:
0x0: {  	(pc) =	sbr.rel $0x88, $3  }
0x1: {  	(tag) =	ssettag $0x0;
	lr =	simm.s32 $0x1  }
0x2: {  	[smem:$0x3F91] =	sst lr;
	_ =	strace $0xD0000000  }
0x3: {  	_ = 	snop  }
0x4: {  	_ = 	snop  }
0x5: {  	_ = 	snop  }
0x6: {  	_ = 	snop  }
0x7: {  	_ = 	snop  }
__scs_overlays_trampoline_lowered:
0x8: {  	[smem:$0x3FA0] =	sst s0  }
0x9: {  	[smem:$0x3FA1] =	sst s1  }
0xa: {  	[smem:$0x3FA2] =	sst s2  }
0xb: {  	[smem:$0x3FA3] =	sst s3  }
0xc: {  	[smem:$0x3FA4] =	sst s4  }
0xd: {  	[smem:$0x3FA5] =	sst s5  }
0xe: {  	[smem:$0x3FA6] =	sst s6  }
0xf: {  	[smem:$0x3FA7] =	sst s7  }
0x10: {  	[smem:$0x3FA8] =	sst s8  }
0x11: {  	[smem:$0x3FA9] =	sst s9;
	s0 =	simm.s32 @!p0 $0x0  }
0x12: {  	s1 =	sld [smem:$0x3F8F];
	s0 =	simm.s32 @p0 $0x1  }
0x13: {  	[smem:$0x3FAA] =	sst s0;
	s0 =	simm.s32 @!p1 $0x0  }
0x14: {  	s2 =	sld [smem:$0x3F8E];
	s0 =	simm.s32 @p1 $0x1  }
0x15: {  	[smem:$0x3FAB] =	sst s0;
	s0 =	simm.s32 @!p2 $0x0  }
0x16: {  	s3 =	sld [smem:$0x3FDB];
	s0 =	simm.s32 @p2 $0x1  }
0x17: {  	s4 =	simm.s32 $0x1BF5;
	[smem:$0x3FAD] =	sst s0  }
0x18: {  	s0 =	sld [smem:$0x3F90];
	_ =	swait.ge [sflag:s4], $0x0  }
0x19: {  	s7 =	sld [smem:$0x3F91]  }
0x1a: {  	s8 =	sadd.s32 $0xFFFFE003, lr  }
0x1b: {  	s9 =	sadd.s32 $0xFFFFFEF7, lr;
	s5 =	simm.s32 $0xFFFFFFFF;
	p2 =	slt.u32 s8, $0xFFFFF086  }
0x1c: {  	p1 =	slt.u32 s9, $0xF7A;
	s5 =	simm.s32 @!p2 $0x0  }
0x1d: {  	s5 =	simm.s32 @p1 $0x1;
	p0 =	seq.s32 s7, s2  }
0x1e: {  	s7 =	smul.u32 @!p0 $0xF7A, s2;
	p2 =	seq.s32 @!p0 s5, $0x0  }
0x1f: {  	s9 =	smul.u32 $0xF7A, s1;
	s8 =	simm.s32 @!p0 $0x1BF5;
	p2 =	por !p2, p0  }
0x20: {  	[sflag:s8] =	ssyncset.s32 @!p0 $0xFFFFF086;
	s6 =	sadd.s32 @!p0 s3, s7;
	s7 =	simm.s32 @!p0 $0x108  }
0x21: {  	s3 =	sadd.s32 s3, s9;
	s6 =	sadd.s32 @!p0 $0x88, s6;
	s7 =	simm.s32 @p2 $0x1082  }
0x22: {  	[simem:s7], [sflag:s8] =	dma.local @!p0 [hbm:s6], $0xF7A  }
0x23: {  	s9 =	sor.u32 $0xD0000000, s2;
	s6 =	simm.s32 $0x108;
	_ =	swait.ge @!p0 [sflag:s8], $0x0  }
0x24: {  	s3 =	sadd.s32 $0x88, s3;
	s6 =	simm.s32 @!p1 $0x1082;
	[sflag:s4] =	ssyncset.s32 $0xFFFFF086  }
0x25: {  	[simem:s6], [sflag:s4] =	dma.local [hbm:s3], $0xF7A  }
0x26: {  	[smem:$0x3F91] =	sst s1;
	(tag) =	ssettag s2;
	_ =	strace s9  }
0x27: {  	s1 =	sld [smem:$0x3FA1]  }
0x28: {  	s2 =	sld [smem:$0x3FA2]  }
0x29: {  	s4 =	sld [smem:$0x3FA4]  }
0x2a: {  	p0 =	seq.s32 s5, $0x0;
	s5 =	sld [smem:$0x3FA5]  }
0x2b: {  	s6 =	sld [smem:$0x3FA6]  }
0x2c: {  	s7 =	sld [smem:$0x3FA7]  }
0x2d: {  	s3 =	simm.s32 $0x108;
	s8 =	sld [smem:$0x3FA8]  }
0x2e: {  	s3 =	simm.s32 @!p0 $0x1082;
	s9 =	sld [smem:$0x3FA9]  }
0x2f: {  	lr =	sadd.s32 s0, s3;
	s0 =	sld [smem:$0x3FA0]  }
0x30: {  	s3 =	sld [smem:$0x3FA3]  }
0x31: {  	[smem:$0x3FAC] =	sst s10  }
0x32: {  	s10 =	sld [smem:$0x3FAA];
	_ =	sdelay $0x3  }
0x33: {  	p0 =	seq.s32 s10, $0x1;
	s10 =	sld [smem:$0x3FAC];
	_ =	sdelay $0x3  }
0x34: {  	[smem:$0x3FAC] =	sst s10  }
0x35: {  	s10 =	sld [smem:$0x3FAB];
	_ =	sdelay $0x3  }
0x36: {  	p1 =	seq.s32 s10, $0x1;
	s10 =	sld [smem:$0x3FAC];
	_ =	sdelay $0x3  }
0x37: {  	[smem:$0x3FAC] =	sst s10  }
0x38: {  	s10 =	sld [smem:$0x3FAD]  }
0x39: {  	_ = 	snop;
	(pc) =	sbr.ind lr, $3  }
0x3a: {  	_ = 	snop  }
0x3b: {  	_ = 	snop  }
0x3c: {  	p2 =	seq.s32 s10, $0x1;
	s10 =	sld [smem:$0x3FAC]  }
0x3d: {  	_ =	shalt  }
0x3e: {  	_ =	shalt  }
0x3f: {  	_ =	shalt  }
0x40: {  	_ =	shalt  }
0x41: {  	_ =	shalt  }
0x42: {  	_ =	shalt  }
0x43: {  	_ =	shalt  }
0x44: {  	_ =	shalt  }
0x45: {  	_ =	shalt  }
0x46: {  	_ =	shalt  }
0x47: {  	_ =	shalt  }
0x48: {  	_ =	shalt  }
0x49: {  	_ =	shalt  }
0x4a: {  	_ =	shalt  }
0x4b: {  	_ =	shalt  }
0x4c: {  	_ =	shalt  }
0x4d: {  	_ =	shalt  }
0x4e: {  	_ =	shalt  }
0x4f: {  	_ =	shalt  }
0x50: {  	_ =	shalt  }
0x51: {  	_ =	shalt  }
0x52: {  	_ =	shalt  }
0x53: {  	_ =	shalt  }
0x54: {  	_ =	shalt  }
0x55: {  	_ =	shalt  }
0x56: {  	_ =	shalt  }
0x57: {  	_ =	shalt  }
0x58: {  	_ =	shalt  }
0x59: {  	_ =	shalt  }
0x5a: {  	_ =	shalt  }
0x5b: {  	_ =	shalt  }
0x5c: {  	_ =	shalt  }
0x5d: {  	_ =	shalt  }
0x5e: {  	_ =	shalt  }
0x5f: {  	_ =	shalt  }
0x60: {  	_ =	shalt  }
0x61: {  	_ =	shalt  }
0x62: {  	_ =	shalt  }
0x63: {  	_ =	shalt  }
0x64: {  	_ =	shalt  }
0x65: {  	_ =	shalt  }
0x66: {  	_ =	shalt  }
0x67: {  	_ =	shalt  }
0x68: {  	_ =	shalt  }
0x69: {  	_ =	shalt  }
0x6a: {  	_ =	shalt  }
0x6b: {  	_ =	shalt  }
0x6c: {  	_ =	shalt  }
0x6d: {  	_ =	shalt  }
0x6e: {  	_ =	shalt  }
0x6f: {  	_ =	shalt  }
0x70: {  	_ =	shalt  }
0x71: {  	_ =	shalt  }
0x72: {  	_ =	shalt  }
0x73: {  	_ =	shalt  }
0x74: {  	_ =	shalt  }
0x75: {  	_ =	shalt  }
0x76: {  	_ =	shalt  }
0x77: {  	_ =	shalt  }
0x78: {  	_ =	shalt  }
0x79: {  	_ =	shalt  }
0x7a: {  	_ =	shalt  }
0x7b: {  	_ =	shalt  }
0x7c: {  	_ =	shalt  }
0x7d: {  	_ =	shalt  }
0x7e: {  	_ =	shalt  }
0x7f: {  	_ =	shalt  }
0x80: {  	_ =	shalt  }
0x81: {  	_ =	shalt  }
0x82: {  	_ =	shalt  }
0x83: {  	_ =	shalt  }
0x84: {  	_ =	shalt  }
0x85: {  	_ =	shalt  }
0x86: {  	_ =	shalt  }
0x87: {  	_ =	shalt  }
.Lfunc_end0:
.L_simem_size_0:
called_computation_lowered:
.L_overlay_start_0:
0x88: {  	s2 =	sld [smem:$0x3FD9]  }
0x89: {  	s3 =	sld [smem:$0x3FFE];
	_ =	sdelay $0x1  }
0x8a: {  	s1 =	srdreg.scid  }
0x8b: {  	s0 =	sand.u32 $0x1, s1  }
0x8c: {  	s14 =	sshll.u32 s0, $0xA;
	s2 =	sadd.s32 s3, s2  }
0x8d: {  	s2 =	sadd.s32 s2, s14  }
0x8e: {  	[smem:$0x3FB8] =	sst s2  }
0x8f: {  	_ = 	snop  }
0x90: {  	s2 =	sld [smem:$0x3FD0];
	_ =	sdelay $0x2  }
0x91: {  	s15 =	simm.s32 $0xA;
	s4 =	simm.s32 $0x10  }
0x92: {  	[smem:s4], [sflag:s15] =	dma.local [hbm:s2], $0x1  }
0x93: {  	_ =	swait.eq [sflag:s15], $0x1  }
0x94: {  	[sflag:s15] =	ssyncset.done $0x0  }
0x95: {  	s16 =	sld [smem:$0x10];
	[sflag:s15] =	ssyncadd.s32 $0xFFFFFFFF  }
0x96: {  	s17 =	sld [smem:$0x11];
	(tm) =	ssettm $0x1  }
0x97: {  	s18 =	sld [smem:$0x3FFB];
	_ =	sdelay $0x3  }
0x98: {  	_ =	strace s18  }
0x99: {  	s4 =	sld [smem:$0x3FFC];
	_ =	sdelay $0x3  }
0x9a: {  	_ =	strace s4  }
0x9b: {  	s4 =	sld [smem:$0x3FFD];
	_ =	sdelay $0x3  }
0x9c: {  	_ =	strace s4  }
0x9d: {  	_ =	strace $0x8FFFFFFF  }
0x9e: {  	s19 =	sld [smem:$0x3FDB];
	_ =	sdelay $0x1  }
0x9f: {  	s5 =	simm.s32 $_scs_section_size  }
0xa0: {  	s6 =	simm.s32 $_size__tile_overlayer_lowered;
	s7 =	simm.s32 $_tile_overlayer_lowered  }
0xa1: {  	s22 =	simm.s32 $0x1BFF;
	s21 =	sshll.u32 s7, $0x1;
	s4 =	sadd.s32 s5, s19  }
0xa2: {  	s8 =	simm.s32 $0x0;
	s20 =	sshll.u32 s6, $0x1;
	s6 =	sadd.s32 s21, s4  }
0xa3: {  	[timem:s8], [sflag:s22] =	dma.local [hbm:s6], s20  }
0xa4: {  	_ =	swait.ge [sflag:s22], s20  }
0xa5: {  	s5 =	ssub.s32 $0x0, s20;
	[sflag:s22] =	ssyncset.done $0x0  }
0xa6: {  	[sflag:s22] =	ssyncadd.s32 s5;
	_ =	sdelay $0x1  }
0xa7: {  	s23 =	simm.s32 $0x1B8B  }
0xa8: {  	_ =	swait.ge [sflag:s23], $0x1  }
0xa9: {  	[sflag:s23] =	ssyncset.done $0x0  }
0xaa: {  	s25 =	simm.s32 $0x1B8E;
	s24 =	sld [smem:$0x3FFE];
	[sflag:s23] =	ssyncadd.s32 $0xFFFFFFFF  }
0xab: {  	s26 =	simm.s32 $execute0_lowered;
	[smem:$0x3FD2] =	sst s25  }
0xac: {  	s6 =	sshll.u32 s26, $0x1;
	_ =	strace $0x80000046;
	[dreg:$0x1] =	wrdreg $0xFFFFFFFF  }
0xad: {  	s28 =	simm.s32 $_size_execute0_lowered;
	s4 =	sadd.s32 s4, s6;
	[dreg:$0x0] =	wrdreg $0x0  }
0xae: {  	s6 =	sshll.u32 s28, $0x1;
	[dreg:$0x2] =	wrdreg s4  }
0xaf: {  	[dreg:$0x3] =	wrdreg s6  }
0xb0: {  	[dreg:$0x4] =	wrdreg $0xC0  }
0xb1: {  	_ =	task [dreg:s8], $0x5FFFF  }
0xb2: {  	[dreg:$0x1] =	wrdreg $0xFFFFFFFF  }
0xb3: {  	[dreg:$0x0] =	wrdreg $0x60  }
0xb4: {  	[dreg:$0x2] =	wrdreg s16  }
0xb5: {  	[dreg:$0x3] =	wrdreg s24  }
0xb6: {  	[dreg:$0x4] =	wrdreg s17  }
0xb7: {  	[dreg:$0x5] =	wrdreg $0xBA800  }
0xb8: {  	[dreg:$0x6] =	wrdreg $0x1F6800  }
0xb9: {  	[dreg:$0x7] =	wrdreg $0x9  }
0xba: {  	_ =	task.clear_ibuf [dreg:s8], $0x8FFFF;
	_ =	strace $0x90000046  }
0xbb: {  	s29 =	simm.s32 $0x9;
	_ =	strace $0x80000048  }
0xbc: {  	_ =	swait.ge [sflag:s29], $0x1  }
0xbd: {  	[sflag:s29] =	ssyncadd.s32 $0xFFFFFFFF  }
0xbe: {  	_ =	strace $0x90000048  }
0xbf: {  	_ =	sfence  }
0xc0: {  	s30 =	sld [smem:$0x0];
	_ =	sdelay $0x2  }
0xc1: {  	s31 =	sshll.u32 s1, $0xD;
	s1 =	sshrl.u32 s1, $0x2  }
0xc2: {  	s3 =	sand.u32 $0x4000, s31;
	s1 =	sadd.s32 s1, s30  }
0xc3: {  	s0 =	sor.u32 s3, s0;
	s1 =	sshll.u32 s1, $0x11  }
0xc4: {  	s0 =	sor.u32 s1, s0  }
0xc5: {  	s0 =	sadd.s32 $0x8F2B, s0  }
0xc6: {  	[sflag:s0] =	ssyncadd.remote.s32 $0x1  }
0xc7: {  	_ =	sfence.sel $0xFFFF  }
0xc8: {  	[dreg:$0x0] =	wrdreg $0xFFFFFFFF;
	(pc) =	sbr.abs _section_cstart, $3  }
0xc9: {  	[dreg:$0x1] =	wrdreg $0xFFFFFFFF  }
0xca: {  	_ =	task.clear_ibuf [dreg:s8], $0x2FFFF;
	_ =	strace $0x9FFFFFFF  }
0xcb: {  	(tm) =	ssettm $0x7FFFFFFF  }
tec
execute0_lowered:
.L_overlay_start_1:
0x0: {  	(tag) =	ssettag $0x1  }
0x1: {  	s1 =	rddreg [dreg:$0x0]  }
0x2: {  	s6 =	rddreg [dreg:$0x1]  }
0x3: {  	s7 =	rddreg [dreg:$0x2]  }
0x4: {  	s2 =	srdreg.scid;
	s3 =	rddreg [dreg:$0x3]  }
0x5: {  	s0 =	stileid.u32;
	s4 =	rddreg [dreg:$0x4]  }
0x6: {  	s5 =	simm.s32 $0x0;
	s18 =	simm.s32 $0xB800;
	s19 =	simm.s32 $0x1  }
0x7: {  	s20 =	simm.s32 $0xB780;
	s21 =	simm.s32 $0x2;
	s22 =	smul.u32 $0x2780, s0  }
0x8: {  	s28 =	simm.s32 $0x6580;
	s29 =	simm.s32 $0x0;
	s15 =	smul.u32 $0x4F000, s0  }
0x9: {  	s8 =	sand.u32 $0x1, s2;
	s25 =	sshll.u32 s0, $0x1;
	s30 =	smul.u32 $0x278, s0  }
0xa: {  	[smem:$0x7FF] =	sst s5;
	s16 =	sshll.u32 s0, $0x6;
	s11 =	smul.u32 $0x27800, s8  }
0xb: {  	s9 =	sor.u32 s8, s25;
	_ =	strace $0x80000047;
	s13 =	smul.u32 $0x4F0, s8  }
0xc: {  	s8 =	ssub.s32 $0x2, s8;
	s16 =	sor.u32 $0x1C03, s16;
	s10 =	smul.u32 $0x4E2, s9  }
0xd: {  	s12 =	sadd.s32 s22, s6;
	s14 =	sshrl.u32 s8, $0x1;
	s26 =	sshll.u32 s9, $0xB  }
0xe: {  	s31 =	sshrl.u32 s15, $0x2;
	s9 =	sadd.s32 s30, s4;
	s25 =	sshrl.u32 s30, $0x3  }
0xf: {  	s15 =	simm.s32 $0x8F80;
	s11 =	sadd.s32 s11, s6;
	s13 =	sadd.s32 s13, s6  }
0x10: {  	s14 =	ssub.s32 s8, s14;
	s7 =	sadd.s32 s7, s26;
	s17 =	sadd.s32 s31, s3  }
0x11: {  	s8 =	sadd.s32 $0xCC00, s12;
	s26 =	simm.s32 $0x6500;
	s10 =	sadd.s32 s10, s6  }
0x12: {  	s23 =	sadd.s32 $0x34E00, s11;
	s24 =	sadd.s32 $0x34400, s13;
	s11 =	simm.s32 $0x3  }
0x13: {  	s13 =	simm.s32 $0x50;
	s17 =	sshrl.u32 s17, $0x3;
	s6 =	sadd.s32 $0x2E00, s10  }
0x14: {  	s10 =	smax.u32 s14, $0x1;
	s14 =	simm.s32 $0x6780;
	s22 =	sadd.s32 s22, s23  }
0x15: {  	v0 =	vimm.f32 $1.000000000e+00;
	v1 =	vimm.f32 $0.0e+00;
	s23 =	simm.s32 $0x6480;
	s24 =	sadd.s32 s25, s24;
	s25 =	simm.s32 $0x26C0  }
.LBB2_1:
0x16: {  	[tilespmem:s5], [sflag:$0x3] =	stream.linear.gather [hbm4b:s6+s5], $0x2710, $0x38;
	[tilespmem:$0x1F8F8] =	vst v63  }
0x17: {  	_ =	swait.ge [sflag:s11], $0x2710  }
0x18: {  	[sflag:s11] =	ssyncset.done $0x0  }
0x19: {  	s0 =	simm.s32 $0x2780;
	[sflag:s11] =	ssyncadd.s32 $0xFFFFD8F0  }
0x1a: {  	[tilespmem:s0], [sflag:$0x3] =	stream.linear.gather [hbm4b:s7+s5], $0x3E80, $0x38;
	[tilespmem:$0x1F8F8] =	vst v63  }
0x1b: {  	_ =	swait.ge [sflag:s11], $0x3E80  }
0x1c: {  	[sflag:s11] =	ssyncset.done $0x0  }
0x1d: {  	[sflag:s11] =	ssyncadd.s32 $0xFFFFC180  }
0x1e: {  	[tilespmem:s14], [sflag:$0x1] =	stream.indirect.gather [hbm4b:s1+s13], $0x80, s5, s13, $0xb8;
	[tilespmem:$0x1F8F8] =	vst v63  }
0x1f: {  	_ = 	snop  }
0x20: {  	[tilespmem:s15], [sflag:$0x2] =	stream.indirect.gather [hbm4b:s1+s13], $0x80, s13, s13, $0xb8;
	[tilespmem:$0x1F8F8] =	vst v63  }
0x21: {  	[tilespmem:$0xB780] =	vst v0  }
0x22: {  	[tilespmem:$0xB790] =	vst v0  }
0x23: {  	[tilespmem:$0xB7A0] =	vst v0  }
0x24: {  	[tilespmem:$0xB7B0] =	vst v0  }
0x25: {  	[tilespmem:$0xB7C0] =	vst v0  }
0x26: {  	[tilespmem:$0xB800] =	vst v1  }
0x27: {  	[tilespmem:$0xB810] =	vst v1  }
0x28: {  	[tilespmem:$0xB820] =	vst v1  }
0x29: {  	[tilespmem:$0xB830] =	vst v1  }
0x2a: {  	[tilespmem:$0xB840] =	vst v1  }
0x2b: {  	[tilespmem:$0xB850] =	vst v1  }
0x2c: {  	[tilespmem:$0xB860] =	vst v1  }
0x2d: {  	[tilespmem:$0xB870] =	vst v1  }
0x2e: {  	[tilespmem:$0xB880] =	vst v1  }
0x2f: {  	[tilespmem:$0xB890] =	vst v1  }
0x30: {  	[tilespmem:$0xB8A0] =	vst v1  }
0x31: {  	[tilespmem:$0xB8B0] =	vst v1  }
0x32: {  	[tilespmem:$0xB8C0] =	vst v1  }
0x33: {  	[tilespmem:$0xB8D0] =	vst v1  }
0x34: {  	[tilespmem:$0xB8E0] =	vst v1  }
0x35: {  	[tilespmem:$0xB8F0] =	vst v1  }
0x36: {  	[tilespmem:$0xB900] =	vst v1  }
0x37: {  	[tilespmem:$0xB910] =	vst v1  }
0x38: {  	[tilespmem:$0xB920] =	vst v1  }
0x39: {  	[tilespmem:$0xB930] =	vst v1  }
0x3a: {  	[tilespmem:$0xB940] =	vst v1  }
0x3b: {  	[tilespmem:$0xB950] =	vst v1  }
0x3c: {  	[tilespmem:$0xB960] =	vst v1  }
0x3d: {  	[tilespmem:$0xB970] =	vst v1  }
0x3e: {  	[tilespmem:$0xB980] =	vst v1  }
0x3f: {  	[tilespmem:$0xB990] =	vst v1  }
0x40: {  	[tilespmem:$0xB9A0] =	vst v1  }
0x41: {  	[tilespmem:$0xB9B0] =	vst v1  }
0x42: {  	[tilespmem:$0xB9C0] =	vst v1  }
0x43: {  	[tilespmem:$0xB9D0] =	vst v1  }
0x44: {  	[tilespmem:$0xB9E0] =	vst v1  }
0x45: {  	[tilespmem:$0xB9F0] =	vst v1  }
0x46: {  	[tilespmem:$0xBA00] =	vst v1  }
0x47: {  	[tilespmem:$0xBA10] =	vst v1  }
0x48: {  	[tilespmem:$0xBA20] =	vst v1  }
0x49: {  	[tilespmem:$0xBA30] =	vst v1  }
0x4a: {  	[tilespmem:$0xBA40] =	vst v1  }
0x4b: {  	[tilespmem:$0xBA50] =	vst v1  }
0x4c: {  	[tilespmem:$0xBA60] =	vst v1  }
0x4d: {  	[tilespmem:$0xBA70] =	vst v1  }
0x4e: {  	[spmem:s17], [sflag:s16] =	dma.local [hbm:s8], $0x2780  }
0x4f: {  	_ =	swait.ge [sflag:s11], $0x2780  }
0x50: {  	[sflag:s11] =	ssyncset.done $0x0  }
0x51: {  	[sflag:s11] =	ssyncadd.s32 $0xFFFFD880  }
0x52: {  	[spmem:s9] =	stream.linear.scatter [tilespmem:s18], [sflag:$0x3], $0x278, $0x38;
	[tilespmem:$0x1F8F8] =	vst v63  }
0x53: {  	_ =	swait.ge [sflag:s11], $0x278  }
0x54: {  	[sflag:s11] =	ssyncset.done $0x0  }
0x55: {  	[sflag:s11] =	ssyncadd.s32 $0xFFFFFD88  }
0x56: {  	[bflag:$0x0] =	sbarrier.arrive $0xFFFF  }
0x57: {  	_ =	swait.ge [sflag:s19], $0x2800  }
0x58: {  	[sflag:s19] =	ssyncset.done $0x0  }
0x59: {  	s30 =	simm.s32 $0x2780;
	[sflag:s19] =	ssyncadd.s32 $0xFFFFD800  }
0x5a: {  	[spmem:s3] =	stream.indirect.scatter.add.f32 [tilespmem:s14], [sflag:$0x3], $0x80, s30, s13, $0xb8;
	[tilespmem:$0x1F8F8] =	vst v63  }
0x5b: {  	_ =	swait.ge [sflag:s11], $0x2800  }
0x5c: {  	[sflag:s11] =	ssyncset.done $0x0  }
0x5d: {  	s31 =	simm.s32 $0xA0;
	[sflag:s11] =	ssyncadd.s32 $0xFFFFD800  }
0x5e: {  	[tilespmem:s14], [sflag:$0x1] =	stream.indirect.gather [hbm4b:s1+s13], $0x80, s31, s13, $0xb8;
	[tilespmem:$0x1F8F8] =	vst v63  }
0x5f: {  	_ = 	snop  }
0x60: {  	[spmem:s4] =	stream.indirect.scatter.add.f32 [tilespmem:s20], [sflag:$0x3], $0x1, s30, s13, $0xb8;
	[tilespmem:$0x1F8F8] =	vst v63  }
0x61: {  	_ =	swait.ge [sflag:s11], $0x50  }
0x62: {  	[sflag:s11] =	ssyncset.done $0x0  }
0x63: {  	[sflag:s11] =	ssyncadd.s32 $0xFFFFFFB0  }
0x64: {  	_ =	swait.ge [sflag:s21], $0x2800  }
0x65: {  	[sflag:s21] =	ssyncset.done $0x0  }
0x66: {  	s31 =	simm.s32 $0x2800;
	[sflag:s21] =	ssyncadd.s32 $0xFFFFD800  }
0x67: {  	[spmem:s3] =	stream.indirect.scatter.add.f32 [tilespmem:s15], [sflag:$0x3], $0x80, s31, s13, $0xb8;
	[tilespmem:$0x1F8F8] =	vst v63  }
0x68: {  	_ =	swait.ge [sflag:s11], $0x2800  }
0x69: {  	[sflag:s11] =	ssyncset.done $0x0  }
0x6a: {  	s30 =	simm.s32 $0xF0;
	[sflag:s11] =	ssyncadd.s32 $0xFFFFD800  }
0x6b: {  	[tilespmem:s15], [sflag:$0x2] =	stream.indirect.gather [hbm4b:s1+s13], $0x80, s30, s13, $0xb8;
	[tilespmem:$0x1F8F8] =	vst v63  }
0x6c: {  	_ = 	snop  }
0x6d: {  	[spmem:s4] =	stream.indirect.scatter.add.f32 [tilespmem:s20], [sflag:$0x3], $0x1, s31, s13, $0xb8;
	[tilespmem:$0x1F8F8] =	vst v63  }
0x6e: {  	_ =	swait.ge [sflag:s11], $0x50  }
0x6f: {  	s31 =	simm.s32 $0x400;
	[sflag:s11] =	ssyncset.done $0x0  }
.LBB2_2:
0x70: {  	p0 =	sne.s32 s31, $0xF000;
	[sflag:s11] =	ssyncadd.s32 $0xFFFFFFB0;
	s30 =	sadd.s32 $0xA0, s30  }
0x71: {  	s2 =	smov.u32 s31;
	s31 =	sadd.s32 $0x400, s31  }
0x72: {  	_ =	swait.ge [sflag:s19], $0x2800  }
0x73: {  	s2 =	sshra.s32 s2, $0x2;
	[sflag:s19] =	ssyncset.done $0x0  }
0x74: {  	s0 =	sadd.s32 $0x2780, s2;
	[sflag:s19] =	ssyncadd.s32 $0xFFFFD800  }
0x75: {  	[spmem:s3] =	stream.indirect.scatter.add.f32 [tilespmem:s14], [sflag:$0x3], $0x80, s0, s13, $0xb8;
	[tilespmem:$0x1F8F8] =	vst v63  }
0x76: {  	_ =	swait.ge [sflag:s11], $0x2800  }
0x77: {  	[sflag:s11] =	ssyncset.done $0x0  }
0x78: {  	s12 =	sadd.s32 $0xFFFFFFB0, s30;
	[sflag:s11] =	ssyncadd.s32 $0xFFFFD800  }
0x79: {  	[tilespmem:s14], [sflag:$0x1] =	stream.indirect.gather [hbm4b:s1+s13], $0x80, s12, s13, $0xb8;
	[tilespmem:$0x1F8F8] =	vst v63  }
0x7a: {  	_ = 	snop  }
0x7b: {  	[spmem:s4] =	stream.indirect.scatter.add.f32 [tilespmem:s20], [sflag:$0x3], $0x1, s0, s13, $0xb8;
	[tilespmem:$0x1F8F8] =	vst v63  }
0x7c: {  	_ =	swait.ge [sflag:s11], $0x50  }
0x7d: {  	[sflag:s11] =	ssyncset.done $0x0  }
0x7e: {  	[sflag:s11] =	ssyncadd.s32 $0xFFFFFFB0  }
0x7f: {  	_ =	swait.ge [sflag:s21], $0x2800  }
0x80: {  	[sflag:s21] =	ssyncset.done $0x0  }
0x81: {  	s0 =	sadd.s32 $0x2800, s2;
	[sflag:s21] =	ssyncadd.s32 $0xFFFFD800  }
0x82: {  	[spmem:s3] =	stream.indirect.scatter.add.f32 [tilespmem:s15], [sflag:$0x3], $0x80, s0, s13, $0xb8;
	[tilespmem:$0x1F8F8] =	vst v63  }
0x83: {  	_ =	swait.ge [sflag:s11], $0x2800  }
0x84: {  	[sflag:s11] =	ssyncset.done $0x0  }
0x85: {  	[sflag:s11] =	ssyncadd.s32 $0xFFFFD800  }
0x86: {  	[tilespmem:s15], [sflag:$0x2] =	stream.indirect.gather [hbm4b:s1+s13], $0x80, s30, s13, $0xb8;
	[tilespmem:$0x1F8F8] =	vst v63  }
.Ltmp0:
0x87: {  	_ = 	snop;
	(pc) =	sbr.rel @p0 .LBB2_2-.Ltmp0, $4  }
0x88: {  	_ = 	snop  }
0x89: {  	[spmem:s4] =	stream.indirect.scatter.add.f32 [tilespmem:s20], [sflag:$0x3], $0x1, s0, s13, $0xb8;
	[tilespmem:$0x1F8F8] =	vst v63  }
0x8a: {  	_ =	swait.ge [sflag:s11], $0x50  }
0x8b: {  	[sflag:s11] =	ssyncset.done $0x0  }
0x8c: {  	[sflag:s11] =	ssyncadd.s32 $0xFFFFFFB0  }
0x8d: {  	_ =	swait.ge [sflag:s19], $0x2800  }
0x8e: {  	[sflag:s19] =	ssyncset.done $0x0  }
0x8f: {  	[sflag:s19] =	ssyncadd.s32 $0xFFFFD800  }
0x90: {  	[spmem:s3] =	stream.indirect.scatter.add.f32 [tilespmem:s14], [sflag:$0x3], $0x80, s23, s13, $0xb8;
	[tilespmem:$0x1F8F8] =	vst v63  }
0x91: {  	_ =	swait.ge [sflag:s11], $0x2800  }
0x92: {  	[sflag:s11] =	ssyncset.done $0x0  }
0x93: {  	[sflag:s11] =	ssyncadd.s32 $0xFFFFD800  }
0x94: {  	[tilespmem:s14], [sflag:$0x1] =	stream.indirect.gather [hbm4b:s1+s13], $0x80, s25, s13, $0xb8;
	[tilespmem:$0x1F8F8] =	vst v63  }
0x95: {  	_ = 	snop  }
0x96: {  	[spmem:s4] =	stream.indirect.scatter.add.f32 [tilespmem:s20], [sflag:$0x3], $0x1, s23, s13, $0xb8;
	[tilespmem:$0x1F8F8] =	vst v63  }
0x97: {  	_ =	swait.ge [sflag:s11], $0x50  }
0x98: {  	[sflag:s11] =	ssyncset.done $0x0  }
0x99: {  	[sflag:s11] =	ssyncadd.s32 $0xFFFFFFB0  }
0x9a: {  	_ =	swait.ge [sflag:s21], $0x2800  }
0x9b: {  	[sflag:s21] =	ssyncset.done $0x0  }
0x9c: {  	[sflag:s21] =	ssyncadd.s32 $0xFFFFD800  }
0x9d: {  	[spmem:s3] =	stream.indirect.scatter.add.f32 [tilespmem:s15], [sflag:$0x3], $0x80, s26, s13, $0xb8;
	[tilespmem:$0x1F8F8] =	vst v63  }
0x9e: {  	_ =	swait.ge [sflag:s11], $0x2800  }
0x9f: {  	[sflag:s11] =	ssyncset.done $0x0  }
0xa0: {  	[sflag:s11] =	ssyncadd.s32 $0xFFFFD800  }
0xa1: {  	[spmem:s4] =	stream.indirect.scatter.add.f32 [tilespmem:s20], [sflag:$0x3], $0x1, s26, s13, $0xb8;
	[tilespmem:$0x1F8F8] =	vst v63  }
0xa2: {  	_ =	swait.ge [sflag:s11], $0x50  }
0xa3: {  	[sflag:s11] =	ssyncset.done $0x0  }
0xa4: {  	[sflag:s11] =	ssyncadd.s32 $0xFFFFFFB0  }
0xa5: {  	_ =	swait.ge [sflag:s19], $0x2800  }
0xa6: {  	[sflag:s19] =	ssyncset.done $0x0  }
0xa7: {  	[sflag:s19] =	ssyncadd.s32 $0xFFFFD800  }
0xa8: {  	[spmem:s3] =	stream.indirect.scatter.add.f32 [tilespmem:s14], [sflag:$0x3], $0x80, s28, s13, $0xb8;
	[tilespmem:$0x1F8F8] =	vst v63  }
0xa9: {  	_ =	swait.ge [sflag:s11], $0x2800  }
0xaa: {  	[sflag:s11] =	ssyncset.done $0x0  }
0xab: {  	[sflag:s11] =	ssyncadd.s32 $0xFFFFD800  }
0xac: {  	[spmem:s4] =	stream.indirect.scatter.add.f32 [tilespmem:s20], [sflag:$0x3], $0x1, s28, s13, $0xb8;
	[tilespmem:$0x1F8F8] =	vst v63  }
0xad: {  	_ =	swait.ge [sflag:s11], $0x50  }
0xae: {  	[sflag:s11] =	ssyncset.done $0x0  }
0xaf: {  	[sflag:s11] =	ssyncadd.s32 $0xFFFFFFB0  }
0xb0: {  	[bflag:$0x0] =	sbarrier.arrive $0xFFFF  }
0xb1: {  	[hbm:s22], [sflag:s16] =	dma.local [spmem:s17], $0x2780  }
0xb2: {  	_ =	swait.ge [sflag:s11], $0x2780  }
0xb3: {  	[sflag:s11] =	ssyncset.done $0x0  }
0xb4: {  	[sflag:s11] =	ssyncadd.s32 $0xFFFFD880  }
0xb5: {  	[tilespmem:s18], [sflag:$0x3] =	stream.linear.gather [spmem:s9], $0x278, $0x38;
	[tilespmem:$0x1F8F8] =	vst v63  }
0xb6: {  	s29 =	sadd.s32 $0x1, s29;
	_ =	swait.ge [sflag:s11], $0x278  }
0xb7: {  	p0 =	sne.s32 s29, s10;
	[sflag:s11] =	ssyncset.done $0x0  }
.Ltmp1:
0xb8: {  	[sflag:s11] =	ssyncadd.s32 $0xFFFFFD88;
	(pc) =	sbr.rel @p0 .LBB2_1-.Ltmp1, $4  }
0xb9: {  	[hbm4b:s24+s5] =	stream.linear.scatter [tilespmem:s18], [sflag:$0x3], $0x278, $0x38;
	[tilespmem:$0x1F8F8] =	vst v63  }
0xba: {  	_ =	swait.ge [sflag:s11], $0x278  }
0xbb: {  	[sflag:s11] =	ssyncset.done $0x0  }
0xbc: {  	[sflag:s11] =	ssyncadd.s32 $0xFFFFFD88  }
0xbd: {  	_ =	sfence.sel $0x180000  }
0xbe: {  	[bflag:$0x0] =	sbarrier.arrive $0xFFFF  }
0xbf: {  	_ =	strace $0x90000047  }
0xc0: {  	s0 =	stileid.u32;
	[bflag:$0x2] =	sbarrier.arrive $0xFFFF  }
0xc1: {  	p0 =	sne.s32 s0, $0x0;
	s0 =	rddreg [dreg:$0x5]  }
0xc2: {  	s0 =	sadd.s32 @!p0 $0x100000, s0  }
0xc3: {  	[sflag:s0] =	ssyncadd.tile.s32 @!p0 $0x1;
	_ =	shalt  }
.Lfunc_end2:
_tile_overlayer_lowered:
.L_overlay_start_2:
0xc4: {  	(tag) =	ssettag $0x2  }
0xc5: {  	s0 =	rddreg [dreg:$0x0];
	s2 =	stileid.u32  }
0xc6: {  	s1 =	rddreg [dreg:$0x1];
	p0 =	sne.s32 s2, $0x0  }
0xc7: {  	s3 =	rddreg [dreg:$0x2];
	[bflag:$0x3] =	sbarrier.arrive $0xFFFF;
	s2 =	simm.s32 @!p0 $0x1C03  }
0xc8: {  	[timem:s3], [sflag:s2] =	dma.local @!p0 [hbm:s0], s1  }
0xc9: {  	s0 =	simm.s32 @!p0 $0x3  }
0xca: {  	_ =	swait.ge @!p0 [sflag:s0], s1  }
0xcb: {  	s1 =	ssub.s32 @!p0 $0x0, s1;
	[sflag:s0] =	ssyncset.done @!p0 $0x0  }
0xcc: {  	[sflag:s0] =	ssyncadd.s32 @!p0 s1  }
0xcd: {  	[bflag:$0x3] =	sbarrier.arrive $0xFFFF  }
0xce: {  	_ =	shalt  }

</sc_bundles>
